<compile_context>
chip_gen: v7x
topology: tpu7x:2x2x1
jax: 0.10.2.dev20260603
libtpu: 0.0.44.dev20260713+nightly
codegen_flags: <defaults>
</compile_context>

<pallas_src>
import functools

import jax
import jax.numpy as jnp
from jax import lax
from jax.experimental import pallas as pl
from jax.experimental.pallas import tpu as pltpu
from jax.experimental.pallas import tpu_sc as plsc

N = 524288
F = 128
P = 16

N_SC = 32768
N_TC = N - N_SC

L = 16
NW = 32
ROWS_PER_W = N_SC // NW
R = 256
CH = R * F
NCHUNK = ROWS_PER_W // R
GROUPS = R // L

BLOCK = 32768

_mesh = plsc.VectorSubcoreMesh(core_axis_name="c", subcore_axis_name="s")


def _take16(vec, idx):
    dnums = lax.GatherDimensionNumbers(
        offset_dims=(), collapsed_slice_dims=(0,), start_index_map=(0,))
    return lax.gather(vec, idx[:, None], dnums, (1,),
                      mode=lax.GatherScatterMode.PROMISE_IN_BOUNDS)


@functools.partial(
    pl.kernel,
    out_type=jax.ShapeDtypeStruct((N_SC,), jnp.float32),
    mesh=_mesh,
    compiler_params=pltpu.CompilerParams(needs_layout_passes=False),
    scratch_types=[
        pltpu.VMEM((CH,), jnp.float32),
        pltpu.VMEM((CH,), jnp.float32),
        pltpu.VMEM((F,), jnp.float32),
        pltpu.VMEM((P,), jnp.int32),
        pltpu.VMEM((ROWS_PER_W,), jnp.float32),
        pltpu.SemaphoreType.DMA,
        pltpu.SemaphoreType.DMA,
    ],
)
def _sc_match(x_hbm, th_hbm, pat_hbm, out_hbm, buf0, buf1, th_v, pat_v, out_v,
              sem0, sem1):
    wid = lax.axis_index("s") * 2 + lax.axis_index("c")
    base = (N_TC + wid * ROWS_PER_W) * F

    pltpu.sync_copy(th_hbm, th_v)
    pltpu.sync_copy(pat_hbm, pat_v)

    lane = lax.broadcasted_iota(jnp.int32, (L,), 0)
    pat_vec = pat_v[...]
    th_sel = plsc.load_gather(th_v, [pat_vec])
    pat_b = []
    th_b = []
    for p in range(P):
        sel = jnp.full((L,), p, jnp.int32)
        pat_b.append(_take16(pat_vec, sel))
        th_b.append(_take16(th_sel, sel))

    def start(c, buf, sem):
        pltpu.async_copy(x_hbm.at[pl.ds(base + c * CH, CH)], buf, sem)

    def wait(c, buf, sem):
        pltpu.make_async_copy(
            x_hbm.at[pl.ds(base + c * CH, CH)], buf, sem).wait()

    def compute(buf, c):
        def gbody(g, carry):
            rowbase = (g * L + lane) * F
            acc = None
            for p in range(P):
                vals = plsc.load_gather(buf, [rowbase + pat_b[p]])
                ok = vals > th_b[p]
                acc = ok if acc is None else (acc & ok)
            out_v[pl.ds(c * R + g * L, L)] = jnp.where(
                acc, jnp.ones((L,), jnp.float32), jnp.zeros((L,), jnp.float32))
            return carry

        lax.fori_loop(0, GROUPS, gbody, 0)

    start(0, buf0, sem0)

    def outer(i, carry):
        c0 = 2 * i
        start(c0 + 1, buf1, sem1)
        wait(c0, buf0, sem0)
        compute(buf0, c0)

        @pl.when(c0 + 2 < NCHUNK)
        def _():
            start(c0 + 2, buf0, sem0)

        wait(c0 + 1, buf1, sem1)
        compute(buf1, c0 + 1)
        return carry

    lax.fori_loop(0, NCHUNK // 2, outer, 0)
    pltpu.sync_copy(out_v, out_hbm.at[pl.ds(wid * ROWS_PER_W, ROWS_PER_W)])


def _tc_match_block(x_ref, th_ref, pat_ref, o_ref):
    pat = pat_ref[...]
    col = lax.broadcasted_iota(jnp.int32, (P, F), 1)
    mask = (pat[:, None] == col).any(axis=0)
    x = x_ref[...]
    th = th_ref[...]
    fail = ((x <= th[None, :]) & mask[None, :]).astype(jnp.float32)
    cnt = lax.dot_general(
        jnp.ones((1, F), jnp.float32), fail,
        dimension_numbers=(((1,), (1,)), ((), ())),
        preferred_element_type=jnp.float32,
    )
    o_ref[...] = (cnt == 0.0).astype(jnp.float32)[None]


@jax.jit
def kernel(inputs, thresholds, pat_index):
    out_sc = _sc_match(inputs.reshape(N * F), thresholds, pat_index)
    out_tc = pl.pallas_call(
        _tc_match_block,
        grid=(N_TC // BLOCK,),
        in_specs=[
            pl.BlockSpec((BLOCK, F), lambda i: (i, 0)),
            pl.BlockSpec((F,), lambda i: (0,)),
            pl.BlockSpec((P,), lambda i: (0,)),
        ],
        out_specs=pl.BlockSpec((1, 1, BLOCK), lambda i: (i, 0, 0)),
        out_shape=jax.ShapeDtypeStruct((N_TC // BLOCK, 1, BLOCK), jnp.float32),
    )(inputs, thresholds, pat_index)
    return jnp.concatenate(
        [out_tc.reshape(N_TC), out_sc]).astype(jnp.bool_)

# --- scband reference (transcript-rebuilt; emitter-appended) ---
"""Pipeline reference for scband-match-layer-6846177870562 (READ-ONLY COPY).

The authoritative reference and input builder live on the scoring server;
editing this copy changes nothing except your own understanding.
"""

import jax, jax.numpy as jnp
import numpy as np

N = 524288
F = 128
P = 16

def setup_inputs(seed: int = 0) -> dict:
    key = jax.random.key(seed)
    k1, k2, k3 = jax.random.split(key, 3)
    inputs = jax.random.normal(k1, (N, F), dtype=jnp.float32)
    # binarizer parameters: per-feature thresholds (learned/fit constants)
    thresholds = jax.random.normal(k2, (F,), dtype=jnp.float32) * 0.5
    # pat_index: precomputed in __init__ from pattern feature names; constant int indices
    pat_index = jax.random.randint(k3, (P,), 0, F, dtype=jnp.int32)
    return {"inputs": inputs, "thresholds": thresholds, "pat_index": pat_index}

def reference(inputs, thresholds, pat_index):
    # binarizer: threshold each feature -> boolean feature matrix [N, F]
    bouts = inputs > thresholds[None, :]
    # gather the pattern's columns: tf.gather(bouts, pat_index, axis=1)
    selected = jnp.take(bouts, pat_index, axis=1)
    # tf.map_fn(tf.reduce_all) over rows == all-reduce along axis 1
    matches = jnp.all(selected, axis=1)
    return matches

if __name__ == "__main__":
    import jax
    _d = setup_inputs()
    print(jax.jit(kernel)(*tuple(_d.values())))

</pallas_src>

<mosaic_0001>
#map = affine_map<(d0, d1) -> (0)>
module attributes {stable_mosaic.version = 14 : i64} {
  func.func @_sc_match(%arg0: i32, %arg1: i32, %arg2: memref<67108864xf32, #tpu.memory_space<hbm>>, %arg3: memref<128xf32, #tpu.memory_space<hbm>>, %arg4: memref<16xi32, #tpu.memory_space<hbm>>, %arg5: memref<32768xf32, #tpu.memory_space<hbm>>, %arg6: memref<32768xf32, #tpu.memory_space<vmem>>, %arg7: memref<32768xf32, #tpu.memory_space<vmem>>, %arg8: memref<128xf32, #tpu.memory_space<vmem>>, %arg9: memref<16xi32, #tpu.memory_space<vmem>>, %arg10: memref<1024xf32, #tpu.memory_space<vmem>>, %arg11: memref<!tpu.dma_semaphore, #tpu.memory_space<semaphore_mem>>, %arg12: memref<!tpu.dma_semaphore, #tpu.memory_space<semaphore_mem>>) attributes {dimension_semantics = [#tpu.dimension_semantics<core_parallel>, #tpu.dimension_semantics<subcore_parallel>], iteration_bounds = array<i64: 2, 16>, scalar_prefetch = 0 : i64, scratch_operands = 7 : i64, tpu.core_type = #tpu.core_type<sc_vector_subcore>, window_params = [{transform_indices = #map}, {transform_indices = #map}, {transform_indices = #map}, {transform_indices = #map}]} {
    %mul3A = arith.constant 2 : i32
    %mul3A_0 = arith.muli %arg1, %mul3A : i32
    %add3A = arith.addi %mul3A_0, %arg0 : i32
    %mul3A_1 = arith.constant 1024 : i32
    %mul3A_2 = arith.muli %add3A, %mul3A_1 : i32
    %add3A_3 = arith.constant 491520 : i32
    %add3A_4 = arith.addi %add3A_3, %mul3A_2 : i32
    %mul3A_5 = arith.constant 128 : i32
    %mul3A_6 = arith.muli %add3A_4, %mul3A_5 : i32
    "tpu.region"() ({
      %run_scoped3A = tpu.sem_alloc : memref<!tpu.dma_semaphore, #tpu.memory_space<semaphore_mem>>
      tpu.enqueue_dma source(%arg3 : memref<128xf32, #tpu.memory_space<hbm>>) target(%arg8 : memref<128xf32, #tpu.memory_space<vmem>>) target_semaphore(%run_scoped3A : memref<!tpu.dma_semaphore, #tpu.memory_space<semaphore_mem>>)
      tpu.wait_dma2 semaphore(%run_scoped3A : memref<!tpu.dma_semaphore, #tpu.memory_space<semaphore_mem>>) src(%arg3 : memref<128xf32, #tpu.memory_space<hbm>>) dst(%arg8 : memref<128xf32, #tpu.memory_space<vmem>>)
      tpu.yield
    }) : () -> ()
    "tpu.region"() ({
      %run_scoped3A = tpu.sem_alloc : memref<!tpu.dma_semaphore, #tpu.memory_space<semaphore_mem>>
      tpu.enqueue_dma source(%arg4 : memref<16xi32, #tpu.memory_space<hbm>>) target(%arg9 : memref<16xi32, #tpu.memory_space<vmem>>) target_semaphore(%run_scoped3A : memref<!tpu.dma_semaphore, #tpu.memory_space<semaphore_mem>>)
      tpu.wait_dma2 semaphore(%run_scoped3A : memref<!tpu.dma_semaphore, #tpu.memory_space<semaphore_mem>>) src(%arg4 : memref<16xi32, #tpu.memory_space<hbm>>) dst(%arg9 : memref<16xi32, #tpu.memory_space<vmem>>)
      tpu.yield
    }) : () -> ()
    %iota3A = tpu.iota {dimensions = array<i32: 0>} : vector<16xi32>
    %get3A = arith.constant 0 : index
    %get3A_7 = tpu.vector_load %arg9[%get3A] {strides = array<i32>} : memref<16xi32, #tpu.memory_space<vmem>>, vector<16xi32>,
    %gather3A = tpu.vector_load_idx %arg8[%get3A_7] : memref<128xf32, #tpu.memory_space<vmem>>[vector<16xi32>], vector<16xf32>,
    %broadcast_in_dim3A = arith.constant 0 : i32
    %broadcast_in_dim3A_8 = vector.broadcast %broadcast_in_dim3A : i32 to vector<16xi32>
    %broadcast_in_dim3A_9 = vector.shape_cast %broadcast_in_dim3A_8 : vector<16xi32> to vector<16x1xi32>
    %gather3A_10 = vector.shape_cast %broadcast_in_dim3A_9 : vector<16x1xi32> to vector<16xi32>
    %gather3A_11 = tpu.dynamic_gather %get3A_7[%gather3A_10] in [0] : vector<16xi32>, vector<16xi32> -> vector<16xi32>
    %broadcast_in_dim3A_12 = vector.shape_cast %broadcast_in_dim3A_8 : vector<16xi32> to vector<16x1xi32>
    %gather3A_13 = vector.shape_cast %broadcast_in_dim3A_12 : vector<16x1xi32> to vector<16xi32>
    %gather3A_14 = tpu.dynamic_gather %gather3A[%gather3A_13] in [0] : vector<16xf32>, vector<16xi32> -> vector<16xf32>
    %broadcast_in_dim3A_15 = arith.constant 1 : i32
    %broadcast_in_dim3A_16 = vector.broadcast %broadcast_in_dim3A_15 : i32 to vector<16xi32>
    %broadcast_in_dim3A_17 = vector.shape_cast %broadcast_in_dim3A_16 : vector<16xi32> to vector<16x1xi32>
    %gather3A_18 = vector.shape_cast %broadcast_in_dim3A_17 : vector<16x1xi32> to vector<16xi32>
    %gather3A_19 = tpu.dynamic_gather %get3A_7[%gather3A_18] in [0] : vector<16xi32>, vector<16xi32> -> vector<16xi32>
    %broadcast_in_dim3A_20 = vector.shape_cast %broadcast_in_dim3A_16 : vector<16xi32> to vector<16x1xi32>
    %gather3A_21 = vector.shape_cast %broadcast_in_dim3A_20 : vector<16x1xi32> to vector<16xi32>
    %gather3A_22 = tpu.dynamic_gather %gather3A[%gather3A_21] in [0] : vector<16xf32>, vector<16xi32> -> vector<16xf32>
    %broadcast_in_dim3A_23 = arith.constant 2 : i32
    %broadcast_in_dim3A_24 = vector.broadcast %broadcast_in_dim3A_23 : i32 to vector<16xi32>
    %broadcast_in_dim3A_25 = vector.shape_cast %broadcast_in_dim3A_24 : vector<16xi32> to vector<16x1xi32>
    %gather3A_26 = vector.shape_cast %broadcast_in_dim3A_25 : vector<16x1xi32> to vector<16xi32>
    %gather3A_27 = tpu.dynamic_gather %get3A_7[%gather3A_26] in [0] : vector<16xi32>, vector<16xi32> -> vector<16xi32>
    %broadcast_in_dim3A_28 = vector.shape_cast %broadcast_in_dim3A_24 : vector<16xi32> to vector<16x1xi32>
    %gather3A_29 = vector.shape_cast %broadcast_in_dim3A_28 : vector<16x1xi32> to vector<16xi32>
    %gather3A_30 = tpu.dynamic_gather %gather3A[%gather3A_29] in [0] : vector<16xf32>, vector<16xi32> -> vector<16xf32>
    %broadcast_in_dim3A_31 = arith.constant 3 : i32
    %broadcast_in_dim3A_32 = vector.broadcast %broadcast_in_dim3A_31 : i32 to vector<16xi32>
    %broadcast_in_dim3A_33 = vector.shape_cast %broadcast_in_dim3A_32 : vector<16xi32> to vector<16x1xi32>
    %gather3A_34 = vector.shape_cast %broadcast_in_dim3A_33 : vector<16x1xi32> to vector<16xi32>
    %gather3A_35 = tpu.dynamic_gather %get3A_7[%gather3A_34] in [0] : vector<16xi32>, vector<16xi32> -> vector<16xi32>
    %broadcast_in_dim3A_36 = vector.shape_cast %broadcast_in_dim3A_32 : vector<16xi32> to vector<16x1xi32>
    %gather3A_37 = vector.shape_cast %broadcast_in_dim3A_36 : vector<16x1xi32> to vector<16xi32>
    %gather3A_38 = tpu.dynamic_gather %gather3A[%gather3A_37] in [0] : vector<16xf32>, vector<16xi32> -> vector<16xf32>
    %broadcast_in_dim3A_39 = arith.constant 4 : i32
    %broadcast_in_dim3A_40 = vector.broadcast %broadcast_in_dim3A_39 : i32 to vector<16xi32>
    %broadcast_in_dim3A_41 = vector.shape_cast %broadcast_in_dim3A_40 : vector<16xi32> to vector<16x1xi32>
    %gather3A_42 = vector.shape_cast %broadcast_in_dim3A_41 : vector<16x1xi32> to vector<16xi32>
    %gather3A_43 = tpu.dynamic_gather %get3A_7[%gather3A_42] in [0] : vector<16xi32>, vector<16xi32> -> vector<16xi32>
    %broadcast_in_dim3A_44 = vector.shape_cast %broadcast_in_dim3A_40 : vector<16xi32> to vector<16x1xi32>
    %gather3A_45 = vector.shape_cast %broadcast_in_dim3A_44 : vector<16x1xi32> to vector<16xi32>
    %gather3A_46 = tpu.dynamic_gather %gather3A[%gather3A_45] in [0] : vector<16xf32>, vector<16xi32> -> vector<16xf32>
    %broadcast_in_dim3A_47 = arith.constant 5 : i32
    %broadcast_in_dim3A_48 = vector.broadcast %broadcast_in_dim3A_47 : i32 to vector<16xi32>
    %broadcast_in_dim3A_49 = vector.shape_cast %broadcast_in_dim3A_48 : vector<16xi32> to vector<16x1xi32>
    %gather3A_50 = vector.shape_cast %broadcast_in_dim3A_49 : vector<16x1xi32> to vector<16xi32>
    %gather3A_51 = tpu.dynamic_gather %get3A_7[%gather3A_50] in [0] : vector<16xi32>, vector<16xi32> -> vector<16xi32>
    %broadcast_in_dim3A_52 = vector.shape_cast %broadcast_in_dim3A_48 : vector<16xi32> to vector<16x1xi32>
    %gather3A_53 = vector.shape_cast %broadcast_in_dim3A_52 : vector<16x1xi32> to vector<16xi32>
    %gather3A_54 = tpu.dynamic_gather %gather3A[%gather3A_53] in [0] : vector<16xf32>, vector<16xi32> -> vector<16xf32>
    %broadcast_in_dim3A_55 = arith.constant 6 : i32
    %broadcast_in_dim3A_56 = vector.broadcast %broadcast_in_dim3A_55 : i32 to vector<16xi32>
    %broadcast_in_dim3A_57 = vector.shape_cast %broadcast_in_dim3A_56 : vector<16xi32> to vector<16x1xi32>
    %gather3A_58 = vector.shape_cast %broadcast_in_dim3A_57 : vector<16x1xi32> to vector<16xi32>
    %gather3A_59 = tpu.dynamic_gather %get3A_7[%gather3A_58] in [0] : vector<16xi32>, vector<16xi32> -> vector<16xi32>
    %broadcast_in_dim3A_60 = vector.shape_cast %broadcast_in_dim3A_56 : vector<16xi32> to vector<16x1xi32>
    %gather3A_61 = vector.shape_cast %broadcast_in_dim3A_60 : vector<16x1xi32> to vector<16xi32>
    %gather3A_62 = tpu.dynamic_gather %gather3A[%gather3A_61] in [0] : vector<16xf32>, vector<16xi32> -> vector<16xf32>
    %broadcast_in_dim3A_63 = arith.constant 7 : i32
    %broadcast_in_dim3A_64 = vector.broadcast %broadcast_in_dim3A_63 : i32 to vector<16xi32>
    %broadcast_in_dim3A_65 = vector.shape_cast %broadcast_in_dim3A_64 : vector<16xi32> to vector<16x1xi32>
    %gather3A_66 = vector.shape_cast %broadcast_in_dim3A_65 : vector<16x1xi32> to vector<16xi32>
    %gather3A_67 = tpu.dynamic_gather %get3A_7[%gather3A_66] in [0] : vector<16xi32>, vector<16xi32> -> vector<16xi32>
    %broadcast_in_dim3A_68 = vector.shape_cast %broadcast_in_dim3A_64 : vector<16xi32> to vector<16x1xi32>
    %gather3A_69 = vector.shape_cast %broadcast_in_dim3A_68 : vector<16x1xi32> to vector<16xi32>
    %gather3A_70 = tpu.dynamic_gather %gather3A[%gather3A_69] in [0] : vector<16xf32>, vector<16xi32> -> vector<16xf32>
    %broadcast_in_dim3A_71 = arith.constant 8 : i32
    %broadcast_in_dim3A_72 = vector.broadcast %broadcast_in_dim3A_71 : i32 to vector<16xi32>
    %broadcast_in_dim3A_73 = vector.shape_cast %broadcast_in_dim3A_72 : vector<16xi32> to vector<16x1xi32>
    %gather3A_74 = vector.shape_cast %broadcast_in_dim3A_73 : vector<16x1xi32> to vector<16xi32>
    %gather3A_75 = tpu.dynamic_gather %get3A_7[%gather3A_74] in [0] : vector<16xi32>, vector<16xi32> -> vector<16xi32>
    %broadcast_in_dim3A_76 = vector.shape_cast %broadcast_in_dim3A_72 : vector<16xi32> to vector<16x1xi32>
    %gather3A_77 = vector.shape_cast %broadcast_in_dim3A_76 : vector<16x1xi32> to vector<16xi32>
    %gather3A_78 = tpu.dynamic_gather %gather3A[%gather3A_77] in [0] : vector<16xf32>, vector<16xi32> -> vector<16xf32>
    %broadcast_in_dim3A_79 = arith.constant 9 : i32
    %broadcast_in_dim3A_80 = vector.broadcast %broadcast_in_dim3A_79 : i32 to vector<16xi32>
    %broadcast_in_dim3A_81 = vector.shape_cast %broadcast_in_dim3A_80 : vector<16xi32> to vector<16x1xi32>
    %gather3A_82 = vector.shape_cast %broadcast_in_dim3A_81 : vector<16x1xi32> to vector<16xi32>
    %gather3A_83 = tpu.dynamic_gather %get3A_7[%gather3A_82] in [0] : vector<16xi32>, vector<16xi32> -> vector<16xi32>
    %broadcast_in_dim3A_84 = vector.shape_cast %broadcast_in_dim3A_80 : vector<16xi32> to vector<16x1xi32>
    %gather3A_85 = vector.shape_cast %broadcast_in_dim3A_84 : vector<16x1xi32> to vector<16xi32>
    %gather3A_86 = tpu.dynamic_gather %gather3A[%gather3A_85] in [0] : vector<16xf32>, vector<16xi32> -> vector<16xf32>
    %broadcast_in_dim3A_87 = arith.constant 10 : i32
    %broadcast_in_dim3A_88 = vector.broadcast %broadcast_in_dim3A_87 : i32 to vector<16xi32>
    %broadcast_in_dim3A_89 = vector.shape_cast %broadcast_in_dim3A_88 : vector<16xi32> to vector<16x1xi32>
    %gather3A_90 = vector.shape_cast %broadcast_in_dim3A_89 : vector<16x1xi32> to vector<16xi32>
    %gather3A_91 = tpu.dynamic_gather %get3A_7[%gather3A_90] in [0] : vector<16xi32>, vector<16xi32> -> vector<16xi32>
    %broadcast_in_dim3A_92 = vector.shape_cast %broadcast_in_dim3A_88 : vector<16xi32> to vector<16x1xi32>
    %gather3A_93 = vector.shape_cast %broadcast_in_dim3A_92 : vector<16x1xi32> to vector<16xi32>
    %gather3A_94 = tpu.dynamic_gather %gather3A[%gather3A_93] in [0] : vector<16xf32>, vector<16xi32> -> vector<16xf32>
    %broadcast_in_dim3A_95 = arith.constant 11 : i32
    %broadcast_in_dim3A_96 = vector.broadcast %broadcast_in_dim3A_95 : i32 to vector<16xi32>
    %broadcast_in_dim3A_97 = vector.shape_cast %broadcast_in_dim3A_96 : vector<16xi32> to vector<16x1xi32>
    %gather3A_98 = vector.shape_cast %broadcast_in_dim3A_97 : vector<16x1xi32> to vector<16xi32>
    %gather3A_99 = tpu.dynamic_gather %get3A_7[%gather3A_98] in [0] : vector<16xi32>, vector<16xi32> -> vector<16xi32>
    %broadcast_in_dim3A_100 = vector.shape_cast %broadcast_in_dim3A_96 : vector<16xi32> to vector<16x1xi32>
    %gather3A_101 = vector.shape_cast %broadcast_in_dim3A_100 : vector<16x1xi32> to vector<16xi32>
    %gather3A_102 = tpu.dynamic_gather %gather3A[%gather3A_101] in [0] : vector<16xf32>, vector<16xi32> -> vector<16xf32>
    %broadcast_in_dim3A_103 = arith.constant 12 : i32
    %broadcast_in_dim3A_104 = vector.broadcast %broadcast_in_dim3A_103 : i32 to vector<16xi32>
    %broadcast_in_dim3A_105 = vector.shape_cast %broadcast_in_dim3A_104 : vector<16xi32> to vector<16x1xi32>
    %gather3A_106 = vector.shape_cast %broadcast_in_dim3A_105 : vector<16x1xi32> to vector<16xi32>
    %gather3A_107 = tpu.dynamic_gather %get3A_7[%gather3A_106] in [0] : vector<16xi32>, vector<16xi32> -> vector<16xi32>
    %broadcast_in_dim3A_108 = vector.shape_cast %broadcast_in_dim3A_104 : vector<16xi32> to vector<16x1xi32>
    %gather3A_109 = vector.shape_cast %broadcast_in_dim3A_108 : vector<16x1xi32> to vector<16xi32>
    %gather3A_110 = tpu.dynamic_gather %gather3A[%gather3A_109] in [0] : vector<16xf32>, vector<16xi32> -> vector<16xf32>
    %broadcast_in_dim3A_111 = arith.constant 13 : i32
    %broadcast_in_dim3A_112 = vector.broadcast %broadcast_in_dim3A_111 : i32 to vector<16xi32>
    %broadcast_in_dim3A_113 = vector.shape_cast %broadcast_in_dim3A_112 : vector<16xi32> to vector<16x1xi32>
    %gather3A_114 = vector.shape_cast %broadcast_in_dim3A_113 : vector<16x1xi32> to vector<16xi32>
    %gather3A_115 = tpu.dynamic_gather %get3A_7[%gather3A_114] in [0] : vector<16xi32>, vector<16xi32> -> vector<16xi32>
    %broadcast_in_dim3A_116 = vector.shape_cast %broadcast_in_dim3A_112 : vector<16xi32> to vector<16x1xi32>
    %gather3A_117 = vector.shape_cast %broadcast_in_dim3A_116 : vector<16x1xi32> to vector<16xi32>
    %gather3A_118 = tpu.dynamic_gather %gather3A[%gather3A_117] in [0] : vector<16xf32>, vector<16xi32> -> vector<16xf32>
    %broadcast_in_dim3A_119 = arith.constant 14 : i32
    %broadcast_in_dim3A_120 = vector.broadcast %broadcast_in_dim3A_119 : i32 to vector<16xi32>
    %broadcast_in_dim3A_121 = vector.shape_cast %broadcast_in_dim3A_120 : vector<16xi32> to vector<16x1xi32>
    %gather3A_122 = vector.shape_cast %broadcast_in_dim3A_121 : vector<16x1xi32> to vector<16xi32>
    %gather3A_123 = tpu.dynamic_gather %get3A_7[%gather3A_122] in [0] : vector<16xi32>, vector<16xi32> -> vector<16xi32>
    %broadcast_in_dim3A_124 = vector.shape_cast %broadcast_in_dim3A_120 : vector<16xi32> to vector<16x1xi32>
    %gather3A_125 = vector.shape_cast %broadcast_in_dim3A_124 : vector<16x1xi32> to vector<16xi32>
    %gather3A_126 = tpu.dynamic_gather %gather3A[%gather3A_125] in [0] : vector<16xf32>, vector<16xi32> -> vector<16xf32>
    %broadcast_in_dim3A_127 = arith.constant 15 : i32
    %broadcast_in_dim3A_128 = vector.broadcast %broadcast_in_dim3A_127 : i32 to vector<16xi32>
    %broadcast_in_dim3A_129 = vector.shape_cast %broadcast_in_dim3A_128 : vector<16xi32> to vector<16x1xi32>
    %gather3A_130 = vector.shape_cast %broadcast_in_dim3A_129 : vector<16x1xi32> to vector<16xi32>
    %gather3A_131 = tpu.dynamic_gather %get3A_7[%gather3A_130] in [0] : vector<16xi32>, vector<16xi32> -> vector<16xi32>
    %broadcast_in_dim3A_132 = vector.shape_cast %broadcast_in_dim3A_128 : vector<16xi32> to vector<16x1xi32>
    %gather3A_133 = vector.shape_cast %broadcast_in_dim3A_132 : vector<16x1xi32> to vector<16xi32>
    %gather3A_134 = tpu.dynamic_gather %gather3A[%gather3A_133] in [0] : vector<16xf32>, vector<16xi32> -> vector<16xf32>
    %add3A_135 = arith.constant 0 : i32
    %add3A_136 = arith.addi %mul3A_6, %add3A_135 : i32
    %dma_start3A = tpu.memref_slice %arg2[%add3A_136] : memref<67108864xf32, #tpu.memory_space<hbm>> -> memref<32768xf32, #tpu.memory_space<hbm>>
    %dma_start3A_137 = tpu.memref_slice %arg2[%add3A_136] : memref<67108864xf32, #tpu.memory_space<hbm>> -> memref<32768xf32, #tpu.memory_space<hbm>>
    tpu.enqueue_dma source(%dma_start3A_137 : memref<32768xf32, #tpu.memory_space<hbm>>) target(%arg6 : memref<32768xf32, #tpu.memory_space<vmem>>) target_semaphore(%arg11 : memref<!tpu.dma_semaphore, #tpu.memory_space<semaphore_mem>>)
    %scan3A = arith.constant 0 : i32
    %scan3A_138 = arith.constant 0 : i32
    %scan3A_139 = arith.constant 2 : i32
    %scan3A_140 = arith.addi %scan3A_138, %scan3A_139 : i32
    %scan3A_141 = arith.constant 1 : i32
    scf.for %scan3A_145 = %scan3A_138 to %scan3A_140 step %scan3A_141  : i32 {
      %mul3A_146 = arith.constant 2 : i32
      %mul3A_147 = arith.muli %mul3A_146, %scan3A_145 : i32
      %add3A_148 = arith.constant 1 : i32
      %add3A_149 = arith.addi %mul3A_147, %add3A_148 : i32
      %mul3A_150 = arith.constant 32768 : i32
      %mul3A_151 = arith.muli %add3A_149, %mul3A_150 : i32
      %add3A_152 = arith.addi %mul3A_6, %mul3A_151 : i32
      %dma_start3A_153 = tpu.memref_slice %arg2[%add3A_152] : memref<67108864xf32, #tpu.memory_space<hbm>> -> memref<32768xf32, #tpu.memory_space<hbm>>
      %dma_start3A_154 = tpu.memref_slice %arg2[%add3A_152] : memref<67108864xf32, #tpu.memory_space<hbm>> -> memref<32768xf32, #tpu.memory_space<hbm>>
      tpu.enqueue_dma source(%dma_start3A_154 : memref<32768xf32, #tpu.memory_space<hbm>>) target(%arg7 : memref<32768xf32, #tpu.memory_space<vmem>>) target_semaphore(%arg12 : memref<!tpu.dma_semaphore, #tpu.memory_space<semaphore_mem>>)
      %mul3A_155 = arith.constant 32768 : i32
      %mul3A_156 = arith.muli %mul3A_147, %mul3A_155 : i32
      %add3A_157 = arith.addi %mul3A_6, %mul3A_156 : i32
      %dma_wait3A = tpu.memref_slice %arg2[%add3A_157] : memref<67108864xf32, #tpu.memory_space<hbm>> -> memref<32768xf32, #tpu.memory_space<hbm>>
      %dma_wait3A_158 = tpu.memref_slice %arg2[%add3A_157] : memref<67108864xf32, #tpu.memory_space<hbm>> -> memref<32768xf32, #tpu.memory_space<hbm>>
      tpu.wait_dma2 semaphore(%arg11 : memref<!tpu.dma_semaphore, #tpu.memory_space<semaphore_mem>>) src(%dma_wait3A_158 : memref<32768xf32, #tpu.memory_space<hbm>>) dst(%arg6 : memref<32768xf32, #tpu.memory_space<vmem>>)
      %scan3A_159 = arith.constant 0 : i32
      %scan3A_160 = arith.constant 0 : i32
      %scan3A_161 = arith.constant 16 : i32
      %scan3A_162 = arith.addi %scan3A_160, %scan3A_161 : i32
      %scan3A_163 = arith.constant 1 : i32
      scf.for %scan3A_184 = %scan3A_160 to %scan3A_162 step %scan3A_163  : i32 {
        %mul3A_185 = arith.constant 16 : i32
        %mul3A_186 = arith.muli %scan3A_184, %mul3A_185 : i32
        %add3A_187 = vector.broadcast %mul3A_186 : i32 to vector<16xi32>
        %add3A_188 = arith.addi %add3A_187, %iota3A : vector<16xi32>
        %mul3A_189 = arith.constant 128 : i32
        %mul3A_190 = vector.broadcast %mul3A_189 : i32 to vector<16xi32>
        %mul3A_191 = arith.muli %add3A_188, %mul3A_190 : vector<16xi32>
        %add3A_192 = arith.addi %mul3A_191, %gather3A_11 : vector<16xi32>
        %gather3A_193 = tpu.vector_load_idx %arg6[%add3A_192] : memref<32768xf32, #tpu.memory_space<vmem>>[vector<16xi32>], vector<16xf32>,
        %gt3A = arith.cmpf ogt, %gather3A_193, %gather3A_14 : vector<16xf32>
        %add3A_194 = arith.addi %mul3A_191, %gather3A_19 : vector<16xi32>
        %gather3A_195 = tpu.vector_load_idx %arg6[%add3A_194] : memref<32768xf32, #tpu.memory_space<vmem>>[vector<16xi32>], vector<16xf32>,
        %gt3A_196 = arith.cmpf ogt, %gather3A_195, %gather3A_22 : vector<16xf32>
        %and3A = arith.andi %gt3A, %gt3A_196 : vector<16xi1>
        %add3A_197 = arith.addi %mul3A_191, %gather3A_27 : vector<16xi32>
        %gather3A_198 = tpu.vector_load_idx %arg6[%add3A_197] : memref<32768xf32, #tpu.memory_space<vmem>>[vector<16xi32>], vector<16xf32>,
        %gt3A_199 = arith.cmpf ogt, %gather3A_198, %gather3A_30 : vector<16xf32>
        %and3A_200 = arith.andi %and3A, %gt3A_199 : vector<16xi1>
        %add3A_201 = arith.addi %mul3A_191, %gather3A_35 : vector<16xi32>
        %gather3A_202 = tpu.vector_load_idx %arg6[%add3A_201] : memref<32768xf32, #tpu.memory_space<vmem>>[vector<16xi32>], vector<16xf32>,
        %gt3A_203 = arith.cmpf ogt, %gather3A_202, %gather3A_38 : vector<16xf32>
        %and3A_204 = arith.andi %and3A_200, %gt3A_203 : vector<16xi1>
        %add3A_205 = arith.addi %mul3A_191, %gather3A_43 : vector<16xi32>
        %gather3A_206 = tpu.vector_load_idx %arg6[%add3A_205] : memref<32768xf32, #tpu.memory_space<vmem>>[vector<16xi32>], vector<16xf32>,
        %gt3A_207 = arith.cmpf ogt, %gather3A_206, %gather3A_46 : vector<16xf32>
        %and3A_208 = arith.andi %and3A_204, %gt3A_207 : vector<16xi1>
        %add3A_209 = arith.addi %mul3A_191, %gather3A_51 : vector<16xi32>
        %gather3A_210 = tpu.vector_load_idx %arg6[%add3A_209] : memref<32768xf32, #tpu.memory_space<vmem>>[vector<16xi32>], vector<16xf32>,
        %gt3A_211 = arith.cmpf ogt, %gather3A_210, %gather3A_54 : vector<16xf32>
        %and3A_212 = arith.andi %and3A_208, %gt3A_211 : vector<16xi1>
        %add3A_213 = arith.addi %mul3A_191, %gather3A_59 : vector<16xi32>
        %gather3A_214 = tpu.vector_load_idx %arg6[%add3A_213] : memref<32768xf32, #tpu.memory_space<vmem>>[vector<16xi32>], vector<16xf32>,
        %gt3A_215 = arith.cmpf ogt, %gather3A_214, %gather3A_62 : vector<16xf32>
        %and3A_216 = arith.andi %and3A_212, %gt3A_215 : vector<16xi1>
        %add3A_217 = arith.addi %mul3A_191, %gather3A_67 : vector<16xi32>
        %gather3A_218 = tpu.vector_load_idx %arg6[%add3A_217] : memref<32768xf32, #tpu.memory_space<vmem>>[vector<16xi32>], vector<16xf32>,
        %gt3A_219 = arith.cmpf ogt, %gather3A_218, %gather3A_70 : vector<16xf32>
        %and3A_220 = arith.andi %and3A_216, %gt3A_219 : vector<16xi1>
        %add3A_221 = arith.addi %mul3A_191, %gather3A_75 : vector<16xi32>
        %gather3A_222 = tpu.vector_load_idx %arg6[%add3A_221] : memref<32768xf32, #tpu.memory_space<vmem>>[vector<16xi32>], vector<16xf32>,
        %gt3A_223 = arith.cmpf ogt, %gather3A_222, %gather3A_78 : vector<16xf32>
        %and3A_224 = arith.andi %and3A_220, %gt3A_223 : vector<16xi1>
        %add3A_225 = arith.addi %mul3A_191, %gather3A_83 : vector<16xi32>
        %gather3A_226 = tpu.vector_load_idx %arg6[%add3A_225] : memref<32768xf32, #tpu.memory_space<vmem>>[vector<16xi32>], vector<16xf32>,
        %gt3A_227 = arith.cmpf ogt, %gather3A_226, %gather3A_86 : vector<16xf32>
        %and3A_228 = arith.andi %and3A_224, %gt3A_227 : vector<16xi1>
        %add3A_229 = arith.addi %mul3A_191, %gather3A_91 : vector<16xi32>
        %gather3A_230 = tpu.vector_load_idx %arg6[%add3A_229] : memref<32768xf32, #tpu.memory_space<vmem>>[vector<16xi32>], vector<16xf32>,
        %gt3A_231 = arith.cmpf ogt, %gather3A_230, %gather3A_94 : vector<16xf32>
        %and3A_232 = arith.andi %and3A_228, %gt3A_231 : vector<16xi1>
        %add3A_233 = arith.addi %mul3A_191, %gather3A_99 : vector<16xi32>
        %gather3A_234 = tpu.vector_load_idx %arg6[%add3A_233] : memref<32768xf32, #tpu.memory_space<vmem>>[vector<16xi32>], vector<16xf32>,
        %gt3A_235 = arith.cmpf ogt, %gather3A_234, %gather3A_102 : vector<16xf32>
        %and3A_236 = arith.andi %and3A_232, %gt3A_235 : vector<16xi1>
        %add3A_237 = arith.addi %mul3A_191, %gather3A_107 : vector<16xi32>
        %gather3A_238 = tpu.vector_load_idx %arg6[%add3A_237] : memref<32768xf32, #tpu.memory_space<vmem>>[vector<16xi32>], vector<16xf32>,
        %gt3A_239 = arith.cmpf ogt, %gather3A_238, %gather3A_110 : vector<16xf32>
        %and3A_240 = arith.andi %and3A_236, %gt3A_239 : vector<16xi1>
        %add3A_241 = arith.addi %mul3A_191, %gather3A_115 : vector<16xi32>
        %gather3A_242 = tpu.vector_load_idx %arg6[%add3A_241] : memref<32768xf32, #tpu.memory_space<vmem>>[vector<16xi32>], vector<16xf32>,
        %gt3A_243 = arith.cmpf ogt, %gather3A_242, %gather3A_118 : vector<16xf32>
        %and3A_244 = arith.andi %and3A_240, %gt3A_243 : vector<16xi1>
        %add3A_245 = arith.addi %mul3A_191, %gather3A_123 : vector<16xi32>
        %gather3A_246 = tpu.vector_load_idx %arg6[%add3A_245] : memref<32768xf32, #tpu.memory_space<vmem>>[vector<16xi32>], vector<16xf32>,
        %gt3A_247 = arith.cmpf ogt, %gather3A_246, %gather3A_126 : vector<16xf32>
        %and3A_248 = arith.andi %and3A_244, %gt3A_247 : vector<16xi1>
        %add3A_249 = arith.addi %mul3A_191, %gather3A_131 : vector<16xi32>
        %gather3A_250 = tpu.vector_load_idx %arg6[%add3A_249] : memref<32768xf32, #tpu.memory_space<vmem>>[vector<16xi32>], vector<16xf32>,
        %gt3A_251 = arith.cmpf ogt, %gather3A_250, %gather3A_134 : vector<16xf32>
        %and3A_252 = arith.andi %and3A_248, %gt3A_251 : vector<16xi1>
        %broadcast_in_dim3A_253 = arith.constant 1.000000e+00 : f32
        %broadcast_in_dim3A_254 = vector.broadcast %broadcast_in_dim3A_253 : f32 to vector<16xf32>
        %broadcast_in_dim3A_255 = arith.constant 0.000000e+00 : f32
        %broadcast_in_dim3A_256 = vector.broadcast %broadcast_in_dim3A_255 : f32 to vector<16xf32>
        %select_n3A = arith.select %and3A_252, %broadcast_in_dim3A_254, %broadcast_in_dim3A_256 : vector<16xi1>, vector<16xf32>
        %mul3A_257 = arith.constant 256 : i32
        %mul3A_258 = arith.muli %mul3A_147, %mul3A_257 : i32
        %mul3A_259 = arith.constant 16 : i32
        %mul3A_260 = arith.muli %scan3A_184, %mul3A_259 : i32
        %add3A_261 = arith.addi %mul3A_258, %mul3A_260 : i32
        %swap3A = arith.index_cast %add3A_261 : i32 to index
        %swap3A_262 = tpu.vector_load %arg10[%swap3A] {strides = array<i32>} : memref<1024xf32, #tpu.memory_space<vmem>>, vector<16xf32>,
        tpu.vector_store %arg10[%swap3A], %select_n3A {strides = array<i32>} : memref<1024xf32, #tpu.memory_space<vmem>>, vector<16xf32>,
      }
      %scan3A_164 = arith.constant 16 : i32
      %add3A_165 = arith.constant 2 : i32
      %add3A_166 = arith.addi %mul3A_147, %add3A_165 : i32
      %lt3A = arith.constant 4 : i32
      %lt3A_167 = arith.cmpi slt, %add3A_166, %lt3A : i32
      %convert_element_type3A = arith.extui %lt3A_167 : i1 to i32
      %cond3A = arith.constant 0 : i32
      %cond3A_168 = arith.cmpi ne, %convert_element_type3A, %cond3A : i32
      scf.if %cond3A_168 {
        %add3A_184 = arith.constant 2 : i32
        %add3A_185 = arith.addi %mul3A_147, %add3A_184 : i32
        %mul3A_186 = arith.constant 32768 : i32
        %mul3A_187 = arith.muli %add3A_185, %mul3A_186 : i32
        %add3A_188 = arith.addi %mul3A_6, %mul3A_187 : i32
        %dma_start3A_189 = tpu.memref_slice %arg2[%add3A_188] : memref<67108864xf32, #tpu.memory_space<hbm>> -> memref<32768xf32, #tpu.memory_space<hbm>>
        %dma_start3A_190 = tpu.memref_slice %arg2[%add3A_188] : memref<67108864xf32, #tpu.memory_space<hbm>> -> memref<32768xf32, #tpu.memory_space<hbm>>
        tpu.enqueue_dma source(%dma_start3A_190 : memref<32768xf32, #tpu.memory_space<hbm>>) target(%arg6 : memref<32768xf32, #tpu.memory_space<vmem>>) target_semaphore(%arg11 : memref<!tpu.dma_semaphore, #tpu.memory_space<semaphore_mem>>)
      } else {
      }
      %add3A_169 = arith.constant 1 : i32
      %add3A_170 = arith.addi %mul3A_147, %add3A_169 : i32
      %mul3A_171 = arith.constant 32768 : i32
      %mul3A_172 = arith.muli %add3A_170, %mul3A_171 : i32
      %add3A_173 = arith.addi %mul3A_6, %mul3A_172 : i32
      %dma_wait3A_174 = tpu.memref_slice %arg2[%add3A_173] : memref<67108864xf32, #tpu.memory_space<hbm>> -> memref<32768xf32, #tpu.memory_space<hbm>>
      %dma_wait3A_175 = tpu.memref_slice %arg2[%add3A_173] : memref<67108864xf32, #tpu.memory_space<hbm>> -> memref<32768xf32, #tpu.memory_space<hbm>>
      tpu.wait_dma2 semaphore(%arg12 : memref<!tpu.dma_semaphore, #tpu.memory_space<semaphore_mem>>) src(%dma_wait3A_175 : memref<32768xf32, #tpu.memory_space<hbm>>) dst(%arg7 : memref<32768xf32, #tpu.memory_space<vmem>>)
      %add3A_176 = arith.constant 1 : i32
      %add3A_177 = arith.addi %mul3A_147, %add3A_176 : i32
      %scan3A_178 = arith.constant 0 : i32
      %scan3A_179 = arith.constant 0 : i32
      %scan3A_180 = arith.constant 16 : i32
      %scan3A_181 = arith.addi %scan3A_179, %scan3A_180 : i32
      %scan3A_182 = arith.constant 1 : i32
      scf.for %scan3A_184 = %scan3A_179 to %scan3A_181 step %scan3A_182  : i32 {
        %mul3A_185 = arith.constant 16 : i32
        %mul3A_186 = arith.muli %scan3A_184, %mul3A_185 : i32
        %add3A_187 = vector.broadcast %mul3A_186 : i32 to vector<16xi32>
        %add3A_188 = arith.addi %add3A_187, %iota3A : vector<16xi32>
        %mul3A_189 = arith.constant 128 : i32
        %mul3A_190 = vector.broadcast %mul3A_189 : i32 to vector<16xi32>
        %mul3A_191 = arith.muli %add3A_188, %mul3A_190 : vector<16xi32>
        %add3A_192 = arith.addi %mul3A_191, %gather3A_11 : vector<16xi32>
        %gather3A_193 = tpu.vector_load_idx %arg7[%add3A_192] : memref<32768xf32, #tpu.memory_space<vmem>>[vector<16xi32>], vector<16xf32>,
        %gt3A = arith.cmpf ogt, %gather3A_193, %gather3A_14 : vector<16xf32>
        %add3A_194 = arith.addi %mul3A_191, %gather3A_19 : vector<16xi32>
        %gather3A_195 = tpu.vector_load_idx %arg7[%add3A_194] : memref<32768xf32, #tpu.memory_space<vmem>>[vector<16xi32>], vector<16xf32>,
        %gt3A_196 = arith.cmpf ogt, %gather3A_195, %gather3A_22 : vector<16xf32>
        %and3A = arith.andi %gt3A, %gt3A_196 : vector<16xi1>
        %add3A_197 = arith.addi %mul3A_191, %gather3A_27 : vector<16xi32>
        %gather3A_198 = tpu.vector_load_idx %arg7[%add3A_197] : memref<32768xf32, #tpu.memory_space<vmem>>[vector<16xi32>], vector<16xf32>,
        %gt3A_199 = arith.cmpf ogt, %gather3A_198, %gather3A_30 : vector<16xf32>
        %and3A_200 = arith.andi %and3A, %gt3A_199 : vector<16xi1>
        %add3A_201 = arith.addi %mul3A_191, %gather3A_35 : vector<16xi32>
        %gather3A_202 = tpu.vector_load_idx %arg7[%add3A_201] : memref<32768xf32, #tpu.memory_space<vmem>>[vector<16xi32>], vector<16xf32>,
        %gt3A_203 = arith.cmpf ogt, %gather3A_202, %gather3A_38 : vector<16xf32>
        %and3A_204 = arith.andi %and3A_200, %gt3A_203 : vector<16xi1>
        %add3A_205 = arith.addi %mul3A_191, %gather3A_43 : vector<16xi32>
        %gather3A_206 = tpu.vector_load_idx %arg7[%add3A_205] : memref<32768xf32, #tpu.memory_space<vmem>>[vector<16xi32>], vector<16xf32>,
        %gt3A_207 = arith.cmpf ogt, %gather3A_206, %gather3A_46 : vector<16xf32>
        %and3A_208 = arith.andi %and3A_204, %gt3A_207 : vector<16xi1>
        %add3A_209 = arith.addi %mul3A_191, %gather3A_51 : vector<16xi32>
        %gather3A_210 = tpu.vector_load_idx %arg7[%add3A_209] : memref<32768xf32, #tpu.memory_space<vmem>>[vector<16xi32>], vector<16xf32>,
        %gt3A_211 = arith.cmpf ogt, %gather3A_210, %gather3A_54 : vector<16xf32>
        %and3A_212 = arith.andi %and3A_208, %gt3A_211 : vector<16xi1>
        %add3A_213 = arith.addi %mul3A_191, %gather3A_59 : vector<16xi32>
        %gather3A_214 = tpu.vector_load_idx %arg7[%add3A_213] : memref<32768xf32, #tpu.memory_space<vmem>>[vector<16xi32>], vector<16xf32>,
        %gt3A_215 = arith.cmpf ogt, %gather3A_214, %gather3A_62 : vector<16xf32>
        %and3A_216 = arith.andi %and3A_212, %gt3A_215 : vector<16xi1>
        %add3A_217 = arith.addi %mul3A_191, %gather3A_67 : vector<16xi32>
        %gather3A_218 = tpu.vector_load_idx %arg7[%add3A_217] : memref<32768xf32, #tpu.memory_space<vmem>>[vector<16xi32>], vector<16xf32>,
        %gt3A_219 = arith.cmpf ogt, %gather3A_218, %gather3A_70 : vector<16xf32>
        %and3A_220 = arith.andi %and3A_216, %gt3A_219 : vector<16xi1>
        %add3A_221 = arith.addi %mul3A_191, %gather3A_75 : vector<16xi32>
        %gather3A_222 = tpu.vector_load_idx %arg7[%add3A_221] : memref<32768xf32, #tpu.memory_space<vmem>>[vector<16xi32>], vector<16xf32>,
        %gt3A_223 = arith.cmpf ogt, %gather3A_222, %gather3A_78 : vector<16xf32>
        %and3A_224 = arith.andi %and3A_220, %gt3A_223 : vector<16xi1>
        %add3A_225 = arith.addi %mul3A_191, %gather3A_83 : vector<16xi32>
        %gather3A_226 = tpu.vector_load_idx %arg7[%add3A_225] : memref<32768xf32, #tpu.memory_space<vmem>>[vector<16xi32>], vector<16xf32>,
        %gt3A_227 = arith.cmpf ogt, %gather3A_226, %gather3A_86 : vector<16xf32>
        %and3A_228 = arith.andi %and3A_224, %gt3A_227 : vector<16xi1>
        %add3A_229 = arith.addi %mul3A_191, %gather3A_91 : vector<16xi32>
        %gather3A_230 = tpu.vector_load_idx %arg7[%add3A_229] : memref<32768xf32, #tpu.memory_space<vmem>>[vector<16xi32>], vector<16xf32>,
        %gt3A_231 = arith.cmpf ogt, %gather3A_230, %gather3A_94 : vector<16xf32>
        %and3A_232 = arith.andi %and3A_228, %gt3A_231 : vector<16xi1>
        %add3A_233 = arith.addi %mul3A_191, %gather3A_99 : vector<16xi32>
        %gather3A_234 = tpu.vector_load_idx %arg7[%add3A_233] : memref<32768xf32, #tpu.memory_space<vmem>>[vector<16xi32>], vector<16xf32>,
        %gt3A_235 = arith.cmpf ogt, %gather3A_234, %gather3A_102 : vector<16xf32>
        %and3A_236 = arith.andi %and3A_232, %gt3A_235 : vector<16xi1>
        %add3A_237 = arith.addi %mul3A_191, %gather3A_107 : vector<16xi32>
        %gather3A_238 = tpu.vector_load_idx %arg7[%add3A_237] : memref<32768xf32, #tpu.memory_space<vmem>>[vector<16xi32>], vector<16xf32>,
        %gt3A_239 = arith.cmpf ogt, %gather3A_238, %gather3A_110 : vector<16xf32>
        %and3A_240 = arith.andi %and3A_236, %gt3A_239 : vector<16xi1>
        %add3A_241 = arith.addi %mul3A_191, %gather3A_115 : vector<16xi32>
        %gather3A_242 = tpu.vector_load_idx %arg7[%add3A_241] : memref<32768xf32, #tpu.memory_space<vmem>>[vector<16xi32>], vector<16xf32>,
        %gt3A_243 = arith.cmpf ogt, %gather3A_242, %gather3A_118 : vector<16xf32>
        %and3A_244 = arith.andi %and3A_240, %gt3A_243 : vector<16xi1>
        %add3A_245 = arith.addi %mul3A_191, %gather3A_123 : vector<16xi32>
        %gather3A_246 = tpu.vector_load_idx %arg7[%add3A_245] : memref<32768xf32, #tpu.memory_space<vmem>>[vector<16xi32>], vector<16xf32>,
        %gt3A_247 = arith.cmpf ogt, %gather3A_246, %gather3A_126 : vector<16xf32>
        %and3A_248 = arith.andi %and3A_244, %gt3A_247 : vector<16xi1>
        %add3A_249 = arith.addi %mul3A_191, %gather3A_131 : vector<16xi32>
        %gather3A_250 = tpu.vector_load_idx %arg7[%add3A_249] : memref<32768xf32, #tpu.memory_space<vmem>>[vector<16xi32>], vector<16xf32>,
        %gt3A_251 = arith.cmpf ogt, %gather3A_250, %gather3A_134 : vector<16xf32>
        %and3A_252 = arith.andi %and3A_248, %gt3A_251 : vector<16xi1>
        %broadcast_in_dim3A_253 = arith.constant 1.000000e+00 : f32
        %broadcast_in_dim3A_254 = vector.broadcast %broadcast_in_dim3A_253 : f32 to vector<16xf32>
        %broadcast_in_dim3A_255 = arith.constant 0.000000e+00 : f32
        %broadcast_in_dim3A_256 = vector.broadcast %broadcast_in_dim3A_255 : f32 to vector<16xf32>
        %select_n3A = arith.select %and3A_252, %broadcast_in_dim3A_254, %broadcast_in_dim3A_256 : vector<16xi1>, vector<16xf32>
        %mul3A_257 = arith.constant 256 : i32
        %mul3A_258 = arith.muli %add3A_177, %mul3A_257 : i32
        %mul3A_259 = arith.constant 16 : i32
        %mul3A_260 = arith.muli %scan3A_184, %mul3A_259 : i32
        %add3A_261 = arith.addi %mul3A_258, %mul3A_260 : i32
        %swap3A = arith.index_cast %add3A_261 : i32 to index
        %swap3A_262 = tpu.vector_load %arg10[%swap3A] {strides = array<i32>} : memref<1024xf32, #tpu.memory_space<vmem>>, vector<16xf32>,
        tpu.vector_store %arg10[%swap3A], %select_n3A {strides = array<i32>} : memref<1024xf32, #tpu.memory_space<vmem>>, vector<16xf32>,
      }
      %scan3A_183 = arith.constant 16 : i32
    }
    %scan3A_142 = arith.constant 2 : i32
    %mul3A_143 = arith.constant 1024 : i32
    %mul3A_144 = arith.muli %add3A, %mul3A_143 : i32
    "tpu.region"() ({
      %run_scoped3A = tpu.sem_alloc : memref<!tpu.dma_semaphore, #tpu.memory_space<semaphore_mem>>
      %dma_start3A_145 = tpu.memref_slice %arg5[%mul3A_144] : memref<32768xf32, #tpu.memory_space<hbm>> -> memref<1024xf32, #tpu.memory_space<hbm>>
      %dma_start3A_146 = tpu.memref_slice %arg5[%mul3A_144] : memref<32768xf32, #tpu.memory_space<hbm>> -> memref<1024xf32, #tpu.memory_space<hbm>>
      tpu.enqueue_dma source(%arg10 : memref<1024xf32, #tpu.memory_space<vmem>>) target(%dma_start3A_146 : memref<1024xf32, #tpu.memory_space<hbm>>) target_semaphore(%run_scoped3A : memref<!tpu.dma_semaphore, #tpu.memory_space<semaphore_mem>>)
      %dma_wait3A = tpu.memref_slice %arg5[%mul3A_144] : memref<32768xf32, #tpu.memory_space<hbm>> -> memref<1024xf32, #tpu.memory_space<hbm>>
      %dma_wait3A_147 = tpu.memref_slice %arg5[%mul3A_144] : memref<32768xf32, #tpu.memory_space<hbm>> -> memref<1024xf32, #tpu.memory_space<hbm>>
      tpu.wait_dma2 semaphore(%run_scoped3A : memref<!tpu.dma_semaphore, #tpu.memory_space<semaphore_mem>>) src(%arg10 : memref<1024xf32, #tpu.memory_space<vmem>>) dst(%dma_wait3A_147 : memref<1024xf32, #tpu.memory_space<hbm>>)
      tpu.yield
    }) : () -> ()
    return
  }
}

module attributes {stable_mosaic.version = 14 : i64} {
  func.func @_tc_match_block(%arg0: i32, %arg1: memref<32768x128xf32, #tpu.memory_space<vmem>>, %arg2: memref<128xf32, #tpu.memory_space<vmem>>, %arg3: memref<16xi32, #tpu.memory_space<vmem>>, %arg4: memref<1x1x32768xf32, #tpu.memory_space<vmem>>) attributes {dimension_semantics = [#tpu.dimension_semantics<arbitrary>], iteration_bounds = array<i64: 15>, scalar_prefetch = 0 : i64, scratch_operands = 0 : i64, tpu.core_type = #tpu.core_type<tc>, window_params = [{transform_indices = @transform_0, window_bounds = array<i64: 32768, 128>}, {pipeline_mode = #tpu.pipeline_mode<synchronous>, transform_indices = @transform_1, window_bounds = array<i64: 128>}, {pipeline_mode = #tpu.pipeline_mode<synchronous>, transform_indices = @transform_2, window_bounds = array<i64: 16>}, {transform_indices = @transform_3, window_bounds = array<i64: 1, 1, 32768>}]} {
    %get3A = arith.constant 0 : index
    %get3A_0 = vector.load %arg3[%get3A] : memref<16xi32, #tpu.memory_space<vmem>>, vector<16xi32>
    %iota3A = tpu.iota {dimensions = array<i32: 1>} : vector<16x128xi32>
    %broadcast_in_dim3A = vector.shape_cast %get3A_0 : vector<16xi32> to vector<16x1xi32>
    %eq3A = vector.broadcast %broadcast_in_dim3A : vector<16x1xi32> to vector<16x128xi32>
    %eq3A_1 = arith.cmpi eq, %eq3A, %iota3A : vector<16x128xi32>
    %reduce_or3A = arith.constant 1.000000e+00 : f32
    %reduce_or3A_2 = arith.constant 0.000000e+00 : f32
    %reduce_or3A_3 = vector.broadcast %reduce_or3A : f32 to vector<16x128xf32>
    %reduce_or3A_4 = vector.broadcast %reduce_or3A_2 : f32 to vector<16x128xf32>
    %reduce_or3A_5 = arith.select %eq3A_1, %reduce_or3A_3, %reduce_or3A_4 : vector<16x128xi1>, vector<16x128xf32>
    %reduce_or3A_6 = arith.constant dense<0xFF800000> : vector<128xf32>
    %reduce_or3A_7 = vector.multi_reduction <maximumf>, %reduce_or3A_5, %reduce_or3A_6 [0] : vector<16x128xf32> to vector<128xf32>
    %reduce_or3A_8 = arith.constant 0.000000e+00 : f32
    %reduce_or3A_9 = vector.broadcast %reduce_or3A_8 : f32 to vector<128xf32>
    %reduce_or3A_10 = arith.cmpf ogt, %reduce_or3A_7, %reduce_or3A_9 : vector<128xf32>
    %get3A_11 = arith.constant 0 : index
    %get3A_12 = arith.constant 0 : index
    %get3A_13 = vector.load %arg1[%get3A_11, %get3A_12] : memref<32768x128xf32, #tpu.memory_space<vmem>>, vector<32768x128xf32>
    %get3A_14 = arith.constant 0 : index
    %get3A_15 = vector.load %arg2[%get3A_14] : memref<128xf32, #tpu.memory_space<vmem>>, vector<128xf32>
    %broadcast_in_dim3A_16 = vector.shape_cast %get3A_15 : vector<128xf32> to vector<1x128xf32>
    %le3A = vector.broadcast %broadcast_in_dim3A_16 : vector<1x128xf32> to vector<32768x128xf32>
    %le3A_17 = arith.cmpf ole, %get3A_13, %le3A : vector<32768x128xf32>
    %broadcast_in_dim3A_18 = vector.shape_cast %reduce_or3A_10 : vector<128xi1> to vector<1x128xi1>
    %and3A = vector.broadcast %broadcast_in_dim3A_18 : vector<1x128xi1> to vector<32768x128xi1>
    %and3A_19 = arith.andi %le3A_17, %and3A : vector<32768x128xi1>
    %convert_element_type3A = arith.extui %and3A_19 : vector<32768x128xi1> to vector<32768x128xi32>
    %convert_element_type3A_20 = arith.sitofp %convert_element_type3A : vector<32768x128xi32> to vector<32768x128xf32>
    %broadcast_in_dim3A_21 = arith.constant 1.000000e+00 : f32
    %broadcast_in_dim3A_22 = vector.broadcast %broadcast_in_dim3A_21 : f32 to vector<1x128xf32>
    %dot_general3A = arith.constant dense<0.000000e+00> : vector<1x32768xf32>
    %dot_general3A_23 = tpu.matmul %broadcast_in_dim3A_22, %convert_element_type3A_20, %dot_general3A {dimension_numbers = #tpu.dot_dimension_numbers<[1], [1], [0], [0], [0, 0, 1, 0], [], []>, transpose_lhs_hint = false} : vector<1x128xf32>, vector<32768x128xf32>, vector<1x32768xf32> -> vector<1x32768xf32>
    %eq3A_24 = arith.constant 0.000000e+00 : f32
    %eq3A_25 = vector.broadcast %eq3A_24 : f32 to vector<1x32768xf32>
    %eq3A_26 = arith.cmpf oeq, %dot_general3A_23, %eq3A_25 : vector<1x32768xf32>
    %convert_element_type3A_27 = arith.extui %eq3A_26 : vector<1x32768xi1> to vector<1x32768xi32>
    %convert_element_type3A_28 = arith.sitofp %convert_element_type3A_27 : vector<1x32768xi32> to vector<1x32768xf32>
    %broadcast_in_dim3A_29 = vector.shape_cast %convert_element_type3A_28 : vector<1x32768xf32> to vector<1x1x32768xf32>
    %swap3A = arith.constant 0 : index
    %swap3A_30 = arith.constant 0 : index
    %swap3A_31 = arith.constant 0 : index
    %swap3A_32 = vector.load %arg4[%swap3A, %swap3A_30, %swap3A_31] : memref<1x1x32768xf32, #tpu.memory_space<vmem>>, vector<1x1x32768xf32>
    tpu.vector_store %arg4[%swap3A, %swap3A_30, %swap3A_31], %broadcast_in_dim3A_29 {strides = array<i32>} : memref<1x1x32768xf32, #tpu.memory_space<vmem>>, vector<1x1x32768xf32>,
    return
  }
  func.func @transform_0(%arg0: i32) -> (i32, i32) {
    %c0_i32 = arith.constant 0 : i32
    %c0_i32_0 = arith.constant 0 : i32
    return %arg0, %c0_i32 : i32, i32
  }
  func.func @transform_1(%arg0: i32) -> i32 {
    %c0_i32 = arith.constant 0 : i32
    %c0_i32_0 = arith.constant 0 : i32
    return %c0_i32 : i32
  }
  func.func @transform_2(%arg0: i32) -> i32 {
    %c0_i32 = arith.constant 0 : i32
    %c0_i32_0 = arith.constant 0 : i32
    return %c0_i32 : i32
  }
  func.func @transform_3(%arg0: i32) -> (i32, i32, i32) {
    %c0_i32 = arith.constant 0 : i32
    %c0_i32_0 = arith.constant 0 : i32
    %c0_i32_1 = arith.constant 0 : i32
    return %arg0, %c0_i32, %c0_i32_0 : i32, i32, i32
  }
}

</mosaic_0001>

<sc_bundles>
// kernel: kernel.4.cloned.1.call-start
scs
__scs_entry_jumppad:
0x0: {  	(pc) =	sbr.rel $0x88, $3  }
0x1: {  	(tag) =	ssettag $0x0;
	lr =	simm.s32 $0x1  }
0x2: {  	[smem:$0x3F9E] =	sst lr;
	_ =	strace $0xD0000000  }
0x3: {  	_ = 	snop  }
0x4: {  	_ = 	snop  }
0x5: {  	_ = 	snop  }
0x6: {  	_ = 	snop  }
0x7: {  	_ = 	snop  }
__scs_overlays_trampoline_lowered:
0x8: {  	[smem:$0x3FAD] =	sst s0  }
0x9: {  	[smem:$0x3FAE] =	sst s1  }
0xa: {  	[smem:$0x3FAF] =	sst s2  }
0xb: {  	[smem:$0x3FB0] =	sst s3  }
0xc: {  	[smem:$0x3FB1] =	sst s4  }
0xd: {  	[smem:$0x3FB2] =	sst s5  }
0xe: {  	[smem:$0x3FB3] =	sst s6  }
0xf: {  	[smem:$0x3FB4] =	sst s7  }
0x10: {  	[smem:$0x3FB5] =	sst s8  }
0x11: {  	[smem:$0x3FB6] =	sst s9;
	s0 =	simm.s32 @!p0 $0x0  }
0x12: {  	s1 =	sld [smem:$0x3F9C];
	s0 =	simm.s32 @p0 $0x1  }
0x13: {  	[smem:$0x3FB7] =	sst s0;
	s0 =	simm.s32 @!p1 $0x0  }
0x14: {  	s2 =	sld [smem:$0x3F9B];
	s0 =	simm.s32 @p1 $0x1  }
0x15: {  	[smem:$0x3FB8] =	sst s0;
	s0 =	simm.s32 @!p2 $0x0  }
0x16: {  	s3 =	sld [smem:$0x3FDB];
	s0 =	simm.s32 @p2 $0x1  }
0x17: {  	s4 =	simm.s32 $0x1BF5;
	[smem:$0x3FBA] =	sst s0  }
0x18: {  	s0 =	sld [smem:$0x3F9D];
	_ =	swait.ge [sflag:s4], $0x0  }
0x19: {  	s7 =	sld [smem:$0x3F9E]  }
0x1a: {  	s8 =	sadd.s32 $0xFFFFE003, lr  }
0x1b: {  	s9 =	sadd.s32 $0xFFFFFEF7, lr;
	s5 =	simm.s32 $0xFFFFFFFF;
	p2 =	slt.u32 s8, $0xFFFFF086  }
0x1c: {  	p1 =	slt.u32 s9, $0xF7A;
	s5 =	simm.s32 @!p2 $0x0  }
0x1d: {  	s5 =	simm.s32 @p1 $0x1;
	p0 =	seq.s32 s7, s2  }
0x1e: {  	s7 =	smul.u32 @!p0 $0xF7A, s2;
	p2 =	seq.s32 @!p0 s5, $0x0  }
0x1f: {  	s9 =	smul.u32 $0xF7A, s1;
	s8 =	simm.s32 @!p0 $0x1BF5;
	p2 =	por !p2, p0  }
0x20: {  	[sflag:s8] =	ssyncset.s32 @!p0 $0xFFFFF086;
	s6 =	sadd.s32 @!p0 s3, s7;
	s7 =	simm.s32 @!p0 $0x108  }
0x21: {  	s3 =	sadd.s32 s3, s9;
	s6 =	sadd.s32 @!p0 $0x88, s6;
	s7 =	simm.s32 @p2 $0x1082  }
0x22: {  	[simem:s7], [sflag:s8] =	dma.local @!p0 [hbm:s6], $0xF7A  }
0x23: {  	s9 =	sor.u32 $0xD0000000, s2;
	s6 =	simm.s32 $0x108;
	_ =	swait.ge @!p0 [sflag:s8], $0x0  }
0x24: {  	s3 =	sadd.s32 $0x88, s3;
	s6 =	simm.s32 @!p1 $0x1082;
	[sflag:s4] =	ssyncset.s32 $0xFFFFF086  }
0x25: {  	[simem:s6], [sflag:s4] =	dma.local [hbm:s3], $0xF7A  }
0x26: {  	[smem:$0x3F9E] =	sst s1;
	(tag) =	ssettag s2;
	_ =	strace s9  }
0x27: {  	s1 =	sld [smem:$0x3FAE]  }
0x28: {  	s2 =	sld [smem:$0x3FAF]  }
0x29: {  	s4 =	sld [smem:$0x3FB1]  }
0x2a: {  	p0 =	seq.s32 s5, $0x0;
	s5 =	sld [smem:$0x3FB2]  }
0x2b: {  	s6 =	sld [smem:$0x3FB3]  }
0x2c: {  	s7 =	sld [smem:$0x3FB4]  }
0x2d: {  	s3 =	simm.s32 $0x108;
	s8 =	sld [smem:$0x3FB5]  }
0x2e: {  	s3 =	simm.s32 @!p0 $0x1082;
	s9 =	sld [smem:$0x3FB6]  }
0x2f: {  	lr =	sadd.s32 s0, s3;
	s0 =	sld [smem:$0x3FAD]  }
0x30: {  	s3 =	sld [smem:$0x3FB0]  }
0x31: {  	[smem:$0x3FB9] =	sst s10  }
0x32: {  	s10 =	sld [smem:$0x3FB7];
	_ =	sdelay $0x3  }
0x33: {  	p0 =	seq.s32 s10, $0x1;
	s10 =	sld [smem:$0x3FB9];
	_ =	sdelay $0x3  }
0x34: {  	[smem:$0x3FB9] =	sst s10  }
0x35: {  	s10 =	sld [smem:$0x3FB8];
	_ =	sdelay $0x3  }
0x36: {  	p1 =	seq.s32 s10, $0x1;
	s10 =	sld [smem:$0x3FB9];
	_ =	sdelay $0x3  }
0x37: {  	[smem:$0x3FB9] =	sst s10  }
0x38: {  	s10 =	sld [smem:$0x3FBA]  }
0x39: {  	_ = 	snop;
	(pc) =	sbr.ind lr, $3  }
0x3a: {  	_ = 	snop  }
0x3b: {  	_ = 	snop  }
0x3c: {  	p2 =	seq.s32 s10, $0x1;
	s10 =	sld [smem:$0x3FB9]  }
0x3d: {  	_ =	shalt  }
0x3e: {  	_ =	shalt  }
0x3f: {  	_ =	shalt  }
0x40: {  	_ =	shalt  }
0x41: {  	_ =	shalt  }
0x42: {  	_ =	shalt  }
0x43: {  	_ =	shalt  }
0x44: {  	_ =	shalt  }
0x45: {  	_ =	shalt  }
0x46: {  	_ =	shalt  }
0x47: {  	_ =	shalt  }
0x48: {  	_ =	shalt  }
0x49: {  	_ =	shalt  }
0x4a: {  	_ =	shalt  }
0x4b: {  	_ =	shalt  }
0x4c: {  	_ =	shalt  }
0x4d: {  	_ =	shalt  }
0x4e: {  	_ =	shalt  }
0x4f: {  	_ =	shalt  }
0x50: {  	_ =	shalt  }
0x51: {  	_ =	shalt  }
0x52: {  	_ =	shalt  }
0x53: {  	_ =	shalt  }
0x54: {  	_ =	shalt  }
0x55: {  	_ =	shalt  }
0x56: {  	_ =	shalt  }
0x57: {  	_ =	shalt  }
0x58: {  	_ =	shalt  }
0x59: {  	_ =	shalt  }
0x5a: {  	_ =	shalt  }
0x5b: {  	_ =	shalt  }
0x5c: {  	_ =	shalt  }
0x5d: {  	_ =	shalt  }
0x5e: {  	_ =	shalt  }
0x5f: {  	_ =	shalt  }
0x60: {  	_ =	shalt  }
0x61: {  	_ =	shalt  }
0x62: {  	_ =	shalt  }
0x63: {  	_ =	shalt  }
0x64: {  	_ =	shalt  }
0x65: {  	_ =	shalt  }
0x66: {  	_ =	shalt  }
0x67: {  	_ =	shalt  }
0x68: {  	_ =	shalt  }
0x69: {  	_ =	shalt  }
0x6a: {  	_ =	shalt  }
0x6b: {  	_ =	shalt  }
0x6c: {  	_ =	shalt  }
0x6d: {  	_ =	shalt  }
0x6e: {  	_ =	shalt  }
0x6f: {  	_ =	shalt  }
0x70: {  	_ =	shalt  }
0x71: {  	_ =	shalt  }
0x72: {  	_ =	shalt  }
0x73: {  	_ =	shalt  }
0x74: {  	_ =	shalt  }
0x75: {  	_ =	shalt  }
0x76: {  	_ =	shalt  }
0x77: {  	_ =	shalt  }
0x78: {  	_ =	shalt  }
0x79: {  	_ =	shalt  }
0x7a: {  	_ =	shalt  }
0x7b: {  	_ =	shalt  }
0x7c: {  	_ =	shalt  }
0x7d: {  	_ =	shalt  }
0x7e: {  	_ =	shalt  }
0x7f: {  	_ =	shalt  }
0x80: {  	_ =	shalt  }
0x81: {  	_ =	shalt  }
0x82: {  	_ =	shalt  }
0x83: {  	_ =	shalt  }
0x84: {  	_ =	shalt  }
0x85: {  	_ =	shalt  }
0x86: {  	_ =	shalt  }
0x87: {  	_ =	shalt  }
.Lfunc_end0:
.L_simem_size_0:
called_computation_lowered:
.L_overlay_start_0:
0x88: {  	s2 =	sld [smem:$0x3FD9]  }
0x89: {  	s3 =	sld [smem:$0x3FFE];
	_ =	sdelay $0x1  }
0x8a: {  	s1 =	srdreg.scid  }
0x8b: {  	s0 =	sand.u32 $0x1, s1  }
0x8c: {  	s17 =	sshll.u32 s0, $0xA;
	s2 =	sadd.s32 s3, s2  }
0x8d: {  	s2 =	sadd.s32 s2, s17  }
0x8e: {  	[smem:$0x3FC5] =	sst s2  }
0x8f: {  	_ = 	snop  }
0x90: {  	s2 =	sld [smem:$0x3FC9]  }
0x91: {  	s18 =	sld [smem:$0x3FC8]  }
0x92: {  	s4 =	sld [smem:$0x3FC7];
	(tm) =	ssettm $0x1  }
0x93: {  	s5 =	sld [smem:$0x3FFB];
	_ =	sdelay $0x3  }
0x94: {  	_ =	strace s5  }
0x95: {  	s5 =	sld [smem:$0x3FFC];
	_ =	sdelay $0x3  }
0x96: {  	_ =	strace s5  }
0x97: {  	s5 =	sld [smem:$0x3FFD];
	_ =	sdelay $0x3  }
0x98: {  	_ =	strace s5  }
0x99: {  	_ =	strace $0x8FFFFFFF  }
0x9a: {  	s19 =	sld [smem:$0x3FDB];
	_ =	sdelay $0x1  }
0x9b: {  	s6 =	simm.s32 $_scs_section_size  }
0x9c: {  	s7 =	simm.s32 $_size__tile_overlayer_lowered;
	s8 =	simm.s32 $_tile_overlayer_lowered  }
0x9d: {  	s22 =	simm.s32 $0x1BFF;
	s21 =	sshll.u32 s8, $0x1;
	s5 =	sadd.s32 s6, s19  }
0x9e: {  	s9 =	simm.s32 $0x0;
	s20 =	sshll.u32 s7, $0x1;
	s7 =	sadd.s32 s21, s5  }
0x9f: {  	[timem:s9], [sflag:s22] =	dma.local [hbm:s7], s20  }
0xa0: {  	_ =	swait.ge [sflag:s22], s20  }
0xa1: {  	s6 =	ssub.s32 $0x0, s20;
	[sflag:s22] =	ssyncset.done $0x0  }
0xa2: {  	[sflag:s22] =	ssyncadd.s32 s6;
	_ =	sdelay $0x1  }
0xa3: {  	s23 =	simm.s32 $0x1B8B  }
0xa4: {  	_ =	swait.ge [sflag:s23], $0x1  }
0xa5: {  	[sflag:s23] =	ssyncset.done $0x0  }
0xa6: {  	s25 =	simm.s32 $0x1B8E;
	s24 =	sld [smem:$0x3FFE];
	[sflag:s23] =	ssyncadd.s32 $0xFFFFFFFF  }
0xa7: {  	s26 =	simm.s32 $execute0_lowered;
	[smem:$0x3FD2] =	sst s25  }
0xa8: {  	s7 =	sshll.u32 s26, $0x1;
	_ =	strace $0x80000046;
	[dreg:$0x1] =	wrdreg $0xFFFFFFFF  }
0xa9: {  	s28 =	simm.s32 $_size_execute0_lowered;
	s5 =	sadd.s32 s5, s7;
	[dreg:$0x0] =	wrdreg $0x0  }
0xaa: {  	s7 =	sshll.u32 s28, $0x1;
	[dreg:$0x2] =	wrdreg s5  }
0xab: {  	[dreg:$0x3] =	wrdreg s7  }
0xac: {  	[dreg:$0x4] =	wrdreg $0xC0  }
0xad: {  	_ =	task [dreg:s9], $0x5FFFF  }
0xae: {  	[dreg:$0x1] =	wrdreg $0xFFFFFFFF  }
0xaf: {  	[dreg:$0x0] =	wrdreg $0x60  }
0xb0: {  	[dreg:$0x2] =	wrdreg s2  }
0xb1: {  	[dreg:$0x3] =	wrdreg s18  }
0xb2: {  	[dreg:$0x4] =	wrdreg s4  }
0xb3: {  	[dreg:$0x5] =	wrdreg s24  }
0xb4: {  	[dreg:$0x6] =	wrdreg $0x9  }
0xb5: {  	_ =	task.clear_ibuf [dreg:s9], $0x7FFFF;
	_ =	strace $0x90000046  }
0xb6: {  	s29 =	simm.s32 $0x9;
	_ =	strace $0x80000048  }
0xb7: {  	_ =	swait.ge [sflag:s29], $0x1  }
0xb8: {  	[sflag:s29] =	ssyncadd.s32 $0xFFFFFFFF  }
0xb9: {  	_ =	strace $0x90000048  }
0xba: {  	_ =	sfence  }
0xbb: {  	s30 =	sld [smem:$0x0];
	_ =	sdelay $0x2  }
0xbc: {  	s31 =	sshll.u32 s1, $0xD;
	s1 =	sshrl.u32 s1, $0x2  }
0xbd: {  	s3 =	sand.u32 $0x4000, s31;
	s1 =	sadd.s32 s1, s30  }
0xbe: {  	s0 =	sor.u32 s3, s0;
	s1 =	sshll.u32 s1, $0x11  }
0xbf: {  	s0 =	sor.u32 s1, s0  }
0xc0: {  	s0 =	sadd.s32 $0x8F2B, s0  }
0xc1: {  	[sflag:s0] =	ssyncadd.remote.s32 $0x1  }
0xc2: {  	_ =	sfence.sel $0xFFFF  }
0xc3: {  	[dreg:$0x0] =	wrdreg $0xFFFFFFFF;
	(pc) =	sbr.abs _section_cstart, $3  }
0xc4: {  	[dreg:$0x1] =	wrdreg $0xFFFFFFFF  }
0xc5: {  	_ =	task.clear_ibuf [dreg:s9], $0x2FFFF;
	_ =	strace $0x9FFFFFFF  }
0xc6: {  	(tm) =	ssettm $0x7FFFFFFF  }
0xc7: {  	_ =	shalt  }
tec
execute0_lowered:
.L_overlay_start_1:
0x0: {  	(tag) =	ssettag $0x1  }
0x1: {  	s1 =	rddreg [dreg:$0x0]  }
0x2: {  	s2 =	rddreg [dreg:$0x1]  }
0x3: {  	s4 =	rddreg [dreg:$0x2]  }
0x4: {  	s6 =	rddreg [dreg:$0x3]  }
0x5: {  	s5 =	srdreg.scid;
	s0 =	rddreg [dreg:$0x4]  }
0x6: {  	s3 =	stileid.u32;
	s11 =	simm.s32 $0x10000;
	s12 =	simm.s32 $0x3  }
0x7: {  	s13 =	simm.s32 $0x10080;
	s14 =	simm.s32 $0x8000;
	s15 =	simm.s32 $0x1  }
0x8: {  	s16 =	simm.s32 $0x2;
	s17 =	simm.s32 $0x10100;
	s18 =	simm.s32 $0x0  }
0x9: {  	v0 =	vimm.s32 $0x0;
	s7 =	sand.u32 $0x1, s5;
	s5 =	simm.s32 $0x0;
	s8 =	sshll.u32 s3, $0xB  }
0xa: {  	v1 =	vimm.s32 $0x1;
	v2 =	vimm.s32 $0x2;
	v3 =	vimm.s32 $0x3;
	s9 =	sshll.u32 s7, $0xA;
	[smem:$0x7FF] =	sst s5;
	s7 =	ssub.s32 $0x2, s7  }
0xb: {  	v4 =	vimm.s32 $0x4;
	v5 =	vimm.s32 $0x5;
	v6 =	vimm.s32 $0x6;
	s8 =	sor.u32 s9, s8;
	_ =	strace $0x80000047;
	s10 =	sshrl.u32 s7, $0x1  }
0xc: {  	v7 =	vimm.s32 $0x7;
	v8 =	vimm.s32 $0x8;
	v9 =	vimm.s32 $0x9;
	s9 =	sshrl.u32 s8, $0x3;
	s30 =	sshll.u32 s8, $0x7;
	s8 =	sshll.u32 s8, $0x4  }
0xd: {  	v10 =	vimm.s32 $0xA;
	v11 =	vimm.s32 $0xB;
	v16 =	vlaneseq.u32;
	s10 =	ssub.s32 s7, s10;
	s9 =	sadd.s32 s9, s6;
	s6 =	sor.u32 $0x3C00000, s30  }
0xe: {  	v12 =	vimm.s32 $0xC;
	v13 =	vimm.s32 $0xD;
	v16 =	vmul.u32 $0x80, v16;
	s8 =	sadd.s32 s8, s1;
	s10 =	smax.u32 s10, $0x1;
	s31 =	sshrl.u32 s6, $0x3  }
0xf: {  	v14 =	vimm.s32 $0xE;
	v15 =	vimm.s32 $0xF;
	v17 =	vimm.f32 $0.0e+00;
	s8 =	sadd.s32 $0x782000, s8;
	s9 =	sadd.s32 $0x800, s9;
	s7 =	sadd.s32 s1, s31  }
.LBB2_1:
0x10: {  	[tilespmem:s11], [sflag:$0x3] =	stream.linear.gather [hbm4b:s2+s5], $0x80, $0x38;
	[tilespmem:$0x10500] =	vst v63  }
0x11: {  	_ =	swait.ge [sflag:s12], $0x80  }
0x12: {  	[sflag:s12] =	ssyncset.done $0x0  }
0x13: {  	[sflag:s12] =	ssyncadd.s32 $0xFFFFFF80  }
0x14: {  	[tilespmem:s13], [sflag:$0x3] =	stream.linear.gather [hbm4b:s4+s5], $0x80, $0x38;
	[tilespmem:$0x10500] =	vst v63  }
0x15: {  	_ =	swait.ge [sflag:s12], $0x80  }
0x16: {  	[sflag:s12] =	ssyncset.done $0x0  }
0x17: {  	[sflag:s12] =	ssyncadd.s32 $0xFFFFFF80  }
0x18: {  	v48 =	vld [tilespmem:$0x10080];
	_ =	sdelay $0x4  }
0x19: {  	v18 =	vperm.xlane v48, v0;
	v20 =	vperm.xlane v48, v1  }
0x1a: {  	v22 =	vperm.xlane v48, v2;
	v24 =	vperm.xlane v48, v3  }
0x1b: {  	v26 =	vperm.xlane v48, v4;
	v28 =	vperm.xlane v48, v5  }
0x1c: {  	v30 =	vperm.xlane v48, v6;
	v32 =	vperm.xlane v48, v7;
	v49 =	vld.idx.msk [tilespmem:v48+s11+$0x0], $0xffff  }
0x1d: {  	v34 =	vperm.xlane v48, v8;
	v36 =	vperm.xlane v48, v9  }
0x1e: {  	v38 =	vperm.xlane v48, v10;
	v40 =	vperm.xlane v48, v11  }
0x1f: {  	v42 =	vperm.xlane v48, v12;
	v44 =	vperm.xlane v48, v13  }
0x20: {  	v46 =	vperm.xlane v48, v14;
	v48 =	vperm.xlane v48, v15  }
0x21: {  	v19 =	vperm.xlane v49, v0;
	v21 =	vperm.xlane v49, v1  }
0x22: {  	v23 =	vperm.xlane v49, v2;
	v25 =	vperm.xlane v49, v3  }
0x23: {  	v27 =	vperm.xlane v49, v4;
	v29 =	vperm.xlane v49, v5  }
0x24: {  	v31 =	vperm.xlane v49, v6;
	v33 =	vperm.xlane v49, v7  }
0x25: {  	v35 =	vperm.xlane v49, v8;
	v37 =	vperm.xlane v49, v9  }
0x26: {  	v39 =	vperm.xlane v49, v10;
	v41 =	vperm.xlane v49, v11  }
0x27: {  	p1 =	por $0x1, $0x1;
	s20 =	simm.s32 $0x0;
	v43 =	vperm.xlane v49, v12;
	v45 =	vperm.xlane v49, v13  }
0x28: {  	[tilespmem:s5], [sflag:$0x1] =	stream.linear.gather [hbm4b:s7+s5], $0x8000, $0x38;
	v47 =	vperm.xlane v49, v14;
	v49 =	vperm.xlane v49, v15;
	[tilespmem:$0x10500] =	vst v63  }
.LBB2_2:
0x29: {  	s19 =	sshllo.u32 s20, $0x1;
	s21 =	simm.s32 $0x0  }
0x2a: {  	s22 =	sshll.u32 s19, $0xF;
	v50 =	vmov s21  }
0x2b: {  	s22 =	sor.u32 s6, s22;
	v50 =	vshll.u32 v50, $0x7  }
0x2c: {  	s22 =	sshrl.u32 s22, $0x3;
	v50 =	vor.u32 v16, v50  }
0x2d: {  	s22 =	sadd.s32 s1, s22;
	v51 =	vadd.s32 v18, v50  }
0x2e: {  	v52 =	vadd.s32 v20, v50;
	[tilespmem:s14], [sflag:$0x2] =	stream.linear.gather [hbm4b:s22+s21], $0x8000, $0x38;
	[tilespmem:$0x10500] =	vst v63  }
0x2f: {  	v53 =	vadd.s32 v22, v50;
	_ =	swait.ge [sflag:s15], $0x8000  }
0x30: {  	v54 =	vadd.s32 v24, v50;
	[sflag:s15] =	ssyncset.done $0x0  }
0x31: {  	v55 =	vadd.s32 v26, v50;
	[sflag:s15] =	ssyncadd.s32 $0xFFFF8000  }
0x32: {  	v56 =	vadd.s32 v28, v50;
	v51 =	vld.idx.msk [tilespmem:v51+s5+$0x0], $0xffff  }
0x33: {  	v57 =	vadd.s32 v30, v50;
	v52 =	vld.idx.msk [tilespmem:v52+s5+$0x0], $0xffff  }
0x34: {  	v53 =	vld.idx.msk [tilespmem:v53+s5+$0x0], $0xffff  }
0x35: {  	v58 =	vadd.s32 v32, v50;
	v54 =	vld.idx.msk [tilespmem:v54+s5+$0x0], $0xffff  }
0x36: {  	v59 =	vadd.s32 v34, v50;
	v55 =	vld.idx.msk [tilespmem:v55+s5+$0x0], $0xffff  }
0x37: {  	v60 =	vadd.s32 v36, v50;
	v56 =	vld.idx.msk [tilespmem:v56+s5+$0x0], $0xffff  }
0x38: {  	v61 =	vadd.s32 v38, v50;
	v57 =	vld.idx.msk [tilespmem:v57+s5+$0x0], $0xffff;
	vm0 =	vgt.f32 v51, v19;
	vm1 =	vgt.f32 v52, v21  }
0x39: {  	v62 =	vadd.s32 v40, v50;
	vm0 =	vmand vm0, vm1;
	vm1 =	vgt.f32 v53, v23  }
0x3a: {  	v63 =	vadd.s32 v42, v50;
	v51 =	vld.idx.msk [tilespmem:v58+s5+$0x0], $0xffff;
	vm0 =	vmand vm0, vm1;
	vm1 =	vgt.f32 v54, v25  }
0x3b: {  	v53 =	vld.idx.msk [tilespmem:v59+s5+$0x0], $0xffff;
	vm0 =	vmand vm0, vm1;
	vm1 =	vgt.f32 v55, v27;
	v55 =	vadd.s32 v44, v50  }
0x3c: {  	v54 =	vld.idx.msk [tilespmem:v60+s5+$0x0], $0xffff;
	vm0 =	vmand vm0, vm1;
	vm1 =	vgt.f32 v56, v29;
	v56 =	vadd.s32 v46, v50  }
0x3d: {  	v58 =	vld.idx.msk [tilespmem:v61+s5+$0x0], $0xffff;
	vm0 =	vmand vm0, vm1;
	vm1 =	vgt.f32 v57, v31;
	v57 =	vadd.s32 v48, v50  }
0x3e: {  	v59 =	vld.idx.msk [tilespmem:v62+s5+$0x0], $0xffff  }
0x3f: {  	v60 =	vld.idx.msk [tilespmem:v63+s5+$0x0], $0xffff;
	vm0 =	vmand vm0, vm1;
	vm1 =	vgt.f32 v51, v33  }
0x40: {  	vm0 =	vmand vm0, vm1;
	vm1 =	vgt.f32 v53, v35;
	v50 =	vld.idx.msk [tilespmem:v55+s5+$0x0], $0xffff  }
0x41: {  	vm0 =	vmand vm0, vm1;
	vm1 =	vgt.f32 v54, v37;
	v51 =	vld.idx.msk [tilespmem:v56+s5+$0x0], $0xffff  }
0x42: {  	s31 =	sshll.u32 s20, $0x9;
	s20 =	simm.s32 $0x10;
	vm0 =	vmand vm0, vm1;
	vm1 =	vgt.f32 v58, v39;
	v52 =	vld.idx.msk [tilespmem:v57+s5+$0x0], $0xffff  }
0x43: {  	s22 =	sand.u32 $0x3FFFFE00, s31;
	v63 =	vmov s20;
	vm0 =	vmand vm0, vm1;
	vm1 =	vgt.f32 v59, v41  }
0x44: {  	p0 =	por p1, p1;
	s23 =	simm.s32 $0x20;
	s22 =	sadd.s32 $0x10100, s22;
	v53 =	vshll.u32 v63, $0x7;
	vm0 =	vmand vm0, vm1;
	vm1 =	vgt.f32 v60, v43  }
.LBB2_3:
0x45: {  	p1 =	sne.s32 s23, $0xF0;
	v53 =	vor.u32 v16, v53;
	vm0 =	vmand vm0, vm1;
	vm1 =	vgt.f32 v50, v45  }
0x46: {  	v50 =	vadd.s32 v18, v53;
	vm0 =	vmand vm0, vm1;
	vm1 =	vgt.f32 v51, v47  }
0x47: {  	s24 =	sand.u32 $0x80, s21;
	v51 =	vadd.s32 v20, v53;
	vm0 =	vmand vm0, vm1;
	vm1 =	vgt.f32 v52, v49  }
0x48: {  	s25 =	sand.u32 $0x70, s21;
	s21 =	smov.u32 s20;
	s24 =	sadd.s32 s24, s22;
	v52 =	vadd.s32 v22, v53;
	vm0 =	vmand vm0, vm1  }
0x49: {  	s20 =	smov.u32 s23;
	v54 =	vadd.s32 v24, v53;
	s24 =	sadd.s32 s25, s24;
	v55 =	vsel vm0, $0x3F800000, v17  }
0x4a: {  	v56 =	vadd.s32 v26, v53;
	[tilespmem:s24+$0x0] =	vst v55  }
0x4b: {  	v55 =	vadd.s32 v28, v53;
	v50 =	vld.idx.msk [tilespmem:v50+s5+$0x0], $0xffff  }
0x4c: {  	v57 =	vadd.s32 v30, v53;
	v51 =	vld.idx.msk [tilespmem:v51+s5+$0x0], $0xffff  }
0x4d: {  	v58 =	vadd.s32 v32, v53;
	v52 =	vld.idx.msk [tilespmem:v52+s5+$0x0], $0xffff  }
0x4e: {  	v59 =	vadd.s32 v34, v53;
	v54 =	vld.idx.msk [tilespmem:v54+s5+$0x0], $0xffff  }
0x4f: {  	v60 =	vadd.s32 v36, v53;
	v56 =	vld.idx.msk [tilespmem:v56+s5+$0x0], $0xffff  }
0x50: {  	v61 =	vadd.s32 v38, v53;
	v55 =	vld.idx.msk [tilespmem:v55+s5+$0x0], $0xffff  }
0x51: {  	v62 =	vadd.s32 v40, v53;
	v57 =	vld.idx.msk [tilespmem:v57+s5+$0x0], $0xffff  }
0x52: {  	vm0 =	vgt.f32 v50, v19;
	vm1 =	vgt.f32 v51, v21;
	v51 =	vadd.s32 v42, v53;
	v50 =	vld.idx.msk [tilespmem:v58+s5+$0x0], $0xffff  }
0x53: {  	vm0 =	vmand vm0, vm1;
	vm1 =	vgt.f32 v52, v23;
	v58 =	vadd.s32 v44, v53;
	v52 =	vld.idx.msk [tilespmem:v59+s5+$0x0], $0xffff  }
0x54: {  	vm0 =	vmand vm0, vm1;
	vm1 =	vgt.f32 v54, v25;
	v59 =	vadd.s32 v46, v53;
	v54 =	vld.idx.msk [tilespmem:v60+s5+$0x0], $0xffff  }
0x55: {  	v53 =	vadd.s32 v48, v53;
	vm0 =	vmand vm0, vm1;
	vm1 =	vgt.f32 v56, v27;
	v56 =	vld.idx.msk [tilespmem:v61+s5+$0x0], $0xffff  }
0x56: {  	vm0 =	vmand vm0, vm1;
	vm1 =	vgt.f32 v55, v29;
	v55 =	vld.idx.msk [tilespmem:v62+s5+$0x0], $0xffff  }
0x57: {  	vm0 =	vmand vm0, vm1;
	vm1 =	vgt.f32 v57, v31;
	v57 =	vld.idx.msk [tilespmem:v51+s5+$0x0], $0xffff  }
0x58: {  	vm0 =	vmand vm0, vm1;
	vm1 =	vgt.f32 v50, v33;
	v50 =	vld.idx.msk [tilespmem:v58+s5+$0x0], $0xffff  }
.Ltmp0:
0x59: {  	vm0 =	vmand vm0, vm1;
	vm1 =	vgt.f32 v52, v35;
	v51 =	vld.idx.msk [tilespmem:v59+s5+$0x0], $0xffff;
	(pc) =	sbr.rel @p1 .LBB2_3-.Ltmp0, $4  }
0x5a: {  	vm0 =	vmand vm0, vm1;
	vm1 =	vgt.f32 v54, v37;
	v52 =	vld.idx.msk [tilespmem:v53+s5+$0x0], $0xffff  }
0x5b: {  	vm0 =	vmand vm0, vm1;
	vm1 =	vgt.f32 v56, v39  }
0x5c: {  	v53 =	vmov s23;
	vm0 =	vmand vm0, vm1;
	vm1 =	vgt.f32 v55, v41  }
0x5d: {  	s23 =	sadd.s32 $0x10, s23;
	v53 =	vshll.u32 v53, $0x7;
	vm0 =	vmand vm0, vm1;
	vm1 =	vgt.f32 v57, v43  }
0x5e: {  	v53 =	vor.u32 v16, v53;
	vm0 =	vmand vm0, vm1;
	vm1 =	vgt.f32 v50, v45  }
0x5f: {  	v60 =	vadd.s32 v18, v53;
	vm0 =	vmand vm0, vm1;
	vm1 =	vgt.f32 v51, v47  }
0x60: {  	s23 =	sand.u32 $0x80, s21;
	v61 =	vadd.s32 v20, v53;
	vm0 =	vmand vm0, vm1;
	vm1 =	vgt.f32 v52, v49  }
0x61: {  	s26 =	sand.u32 $0x70, s21;
	v62 =	vadd.s32 v22, v53;
	s23 =	sadd.s32 s23, s22;
	vm0 =	vmand vm0, vm1  }
0x62: {  	v54 =	vadd.s32 v24, v53;
	s21 =	sadd.s32 s26, s23;
	v55 =	vsel vm0, $0x3F800000, v17  }
0x63: {  	v56 =	vadd.s32 v26, v53;
	[tilespmem:s21+$0x0] =	vst v55  }
0x64: {  	v55 =	vadd.s32 v28, v53;
	v50 =	vld.idx.msk [tilespmem:v60+s5+$0x0], $0xffff  }
0x65: {  	v57 =	vadd.s32 v30, v53;
	v51 =	vld.idx.msk [tilespmem:v61+s5+$0x0], $0xffff  }
0x66: {  	v58 =	vadd.s32 v32, v53;
	v52 =	vld.idx.msk [tilespmem:v62+s5+$0x0], $0xffff  }
0x67: {  	v59 =	vadd.s32 v34, v53;
	v54 =	vld.idx.msk [tilespmem:v54+s5+$0x0], $0xffff  }
0x68: {  	v56 =	vld.idx.msk [tilespmem:v56+s5+$0x0], $0xffff;
	v60 =	vadd.s32 v36, v53  }
0x69: {  	v61 =	vadd.s32 v38, v53;
	v55 =	vld.idx.msk [tilespmem:v55+s5+$0x0], $0xffff  }
0x6a: {  	v57 =	vld.idx.msk [tilespmem:v57+s5+$0x0], $0xffff;
	v62 =	vadd.s32 v40, v53;
	vm0 =	vgt.f32 v50, v19;
	vm1 =	vgt.f32 v51, v21  }
0x6b: {  	v50 =	vld.idx.msk [tilespmem:v58+s5+$0x0], $0xffff;
	v51 =	vadd.s32 v42, v53;
	vm0 =	vmand vm0, vm1;
	vm1 =	vgt.f32 v52, v23  }
0x6c: {  	v58 =	vadd.s32 v44, v53;
	v52 =	vld.idx.msk [tilespmem:v59+s5+$0x0], $0xffff;
	vm0 =	vmand vm0, vm1;
	vm1 =	vgt.f32 v54, v25  }
0x6d: {  	v63 =	vadd.s32 v46, v53;
	v54 =	vld.idx.msk [tilespmem:v60+s5+$0x0], $0xffff;
	vm0 =	vmand vm0, vm1;
	vm1 =	vgt.f32 v56, v27  }
0x6e: {  	v53 =	vadd.s32 v48, v53;
	v60 =	vld.idx.msk [tilespmem:v61+s5+$0x0], $0xffff;
	vm0 =	vmand vm0, vm1;
	vm1 =	vgt.f32 v55, v29  }
0x6f: {  	v61 =	vld.idx.msk [tilespmem:v62+s5+$0x0], $0xffff;
	vm0 =	vmand vm0, vm1;
	vm1 =	vgt.f32 v57, v31  }
0x70: {  	v51 =	vld.idx.msk [tilespmem:v51+s5+$0x0], $0xffff;
	vm0 =	vmand vm0, vm1;
	vm1 =	vgt.f32 v50, v33  }
0x71: {  	v62 =	vld.idx.msk [tilespmem:v58+s5+$0x0], $0xffff;
	vm0 =	vmand vm0, vm1;
	vm1 =	vgt.f32 v52, v35  }
0x72: {  	v63 =	vld.idx.msk [tilespmem:v63+s5+$0x0], $0xffff;
	vm0 =	vmand vm0, vm1;
	vm1 =	vgt.f32 v54, v37  }
0x73: {  	v53 =	vld.idx.msk [tilespmem:v53+s5+$0x0], $0xffff;
	vm0 =	vmand vm0, vm1;
	vm1 =	vgt.f32 v60, v39  }
0x74: {  	vm0 =	vmand vm0, vm1;
	vm1 =	vgt.f32 v61, v41  }
0x75: {  	vm0 =	vmand vm0, vm1;
	vm1 =	vgt.f32 v51, v43  }
0x76: {  	vm0 =	vmand vm0, vm1;
	vm1 =	vgt.f32 v62, v45  }
0x77: {  	s21 =	simm.s32 $0x0;
	vm0 =	vmand vm0, vm1;
	vm1 =	vgt.f32 v63, v47  }
0x78: {  	s28 =	sand.u32 $0x80, s20;
	v57 =	vmov s21;
	vm0 =	vmand vm0, vm1;
	vm1 =	vgt.f32 v53, v49  }
0x79: {  	s29 =	sand.u32 $0x70, s20;
	s30 =	sadd.s32 s28, s22;
	v50 =	vshll.u32 v57, $0x7;
	vm0 =	vmand vm0, vm1  }
0x7a: {  	s20 =	sadd.s32 s29, s30;
	v50 =	vor.u32 v16, v50;
	v58 =	vsel vm0, $0x3F800000, v17  }
0x7b: {  	v59 =	vadd.s32 v18, v50;
	[tilespmem:s20+$0x0] =	vst v58;
	s20 =	simm.s32 @p0 $0x0  }
0x7c: {  	v63 =	vadd.s32 v20, v50;
	[tilespmem:s20], [sflag:$0x1] =	stream.linear.gather @p0 [hbm4b:s8+s20], $0x8000, $0x38;
	[tilespmem:$0x10500] =	vst v63  }
0x7d: {  	v60 =	vadd.s32 v22, v50;
	_ =	swait.ge [sflag:s16], $0x8000  }
0x7e: {  	v61 =	vadd.s32 v24, v50;
	[sflag:s16] =	ssyncset.done $0x0  }
0x7f: {  	v62 =	vadd.s32 v26, v50;
	[sflag:s16] =	ssyncadd.s32 $0xFFFF8000  }
0x80: {  	v56 =	vadd.s32 v28, v50;
	v51 =	vld.idx.msk [tilespmem:v59+s14+$0x0], $0xffff  }
0x81: {  	v57 =	vadd.s32 v30, v50;
	v52 =	vld.idx.msk [tilespmem:v63+s14+$0x0], $0xffff  }
0x82: {  	v53 =	vld.idx.msk [tilespmem:v60+s14+$0x0], $0xffff  }
0x83: {  	v58 =	vadd.s32 v32, v50;
	v54 =	vld.idx.msk [tilespmem:v61+s14+$0x0], $0xffff  }
0x84: {  	v59 =	vadd.s32 v34, v50;
	v55 =	vld.idx.msk [tilespmem:v62+s14+$0x0], $0xffff  }
0x85: {  	v60 =	vadd.s32 v36, v50;
	v56 =	vld.idx.msk [tilespmem:v56+s14+$0x0], $0xffff  }
0x86: {  	v61 =	vadd.s32 v38, v50;
	v57 =	vld.idx.msk [tilespmem:v57+s14+$0x0], $0xffff;
	vm0 =	vgt.f32 v51, v19;
	vm1 =	vgt.f32 v52, v21  }
0x87: {  	v62 =	vadd.s32 v40, v50;
	vm0 =	vmand vm0, vm1;
	vm1 =	vgt.f32 v53, v23  }
0x88: {  	v63 =	vadd.s32 v42, v50;
	v51 =	vld.idx.msk [tilespmem:v58+s14+$0x0], $0xffff;
	vm0 =	vmand vm0, vm1;
	vm1 =	vgt.f32 v54, v25  }
0x89: {  	v53 =	vld.idx.msk [tilespmem:v59+s14+$0x0], $0xffff;
	vm0 =	vmand vm0, vm1;
	vm1 =	vgt.f32 v55, v27;
	v55 =	vadd.s32 v44, v50  }
0x8a: {  	v54 =	vld.idx.msk [tilespmem:v60+s14+$0x0], $0xffff;
	vm0 =	vmand vm0, vm1;
	vm1 =	vgt.f32 v56, v29;
	v56 =	vadd.s32 v46, v50  }
0x8b: {  	v58 =	vld.idx.msk [tilespmem:v61+s14+$0x0], $0xffff;
	vm0 =	vmand vm0, vm1;
	vm1 =	vgt.f32 v57, v31;
	v57 =	vadd.s32 v48, v50  }
0x8c: {  	v59 =	vld.idx.msk [tilespmem:v62+s14+$0x0], $0xffff  }
0x8d: {  	v60 =	vld.idx.msk [tilespmem:v63+s14+$0x0], $0xffff;
	vm0 =	vmand vm0, vm1;
	vm1 =	vgt.f32 v51, v33  }
0x8e: {  	vm0 =	vmand vm0, vm1;
	vm1 =	vgt.f32 v53, v35;
	v50 =	vld.idx.msk [tilespmem:v55+s14+$0x0], $0xffff  }
0x8f: {  	vm0 =	vmand vm0, vm1;
	vm1 =	vgt.f32 v54, v37;
	v51 =	vld.idx.msk [tilespmem:v56+s14+$0x0], $0xffff  }
0x90: {  	s31 =	sshll.u32 s19, $0x8;
	s19 =	simm.s32 $0x10;
	vm0 =	vmand vm0, vm1;
	vm1 =	vgt.f32 v58, v39;
	v52 =	vld.idx.msk [tilespmem:v57+s14+$0x0], $0xffff  }
0x91: {  	s20 =	sand.u32 $0x3FFFFF00, s31;
	v63 =	vmov s19;
	vm0 =	vmand vm0, vm1;
	vm1 =	vgt.f32 v59, v41  }
0x92: {  	s22 =	simm.s32 $0x20;
	s20 =	sadd.s32 $0x10100, s20;
	v53 =	vshll.u32 v63, $0x7;
	vm0 =	vmand vm0, vm1;
	vm1 =	vgt.f32 v60, v43  }
.LBB2_5:
0x93: {  	p1 =	sne.s32 s22, $0xF0;
	v53 =	vor.u32 v16, v53;
	vm0 =	vmand vm0, vm1;
	vm1 =	vgt.f32 v50, v45  }
0x94: {  	v50 =	vadd.s32 v18, v53;
	vm0 =	vmand vm0, vm1;
	vm1 =	vgt.f32 v51, v47  }
0x95: {  	s23 =	sand.u32 $0x80, s21;
	v51 =	vadd.s32 v20, v53;
	vm0 =	vmand vm0, vm1;
	vm1 =	vgt.f32 v52, v49  }
0x96: {  	s24 =	sand.u32 $0x70, s21;
	s21 =	smov.u32 s19;
	s23 =	sadd.s32 s23, s20;
	v52 =	vadd.s32 v22, v53;
	vm0 =	vmand vm0, vm1  }
0x97: {  	s19 =	smov.u32 s22;
	v54 =	vadd.s32 v24, v53;
	s23 =	sadd.s32 s24, s23;
	v55 =	vsel vm0, $0x3F800000, v17  }
0x98: {  	v56 =	vadd.s32 v26, v53;
	[tilespmem:s23+$0x0] =	vst v55  }
0x99: {  	v55 =	vadd.s32 v28, v53;
	v50 =	vld.idx.msk [tilespmem:v50+s14+$0x0], $0xffff  }
0x9a: {  	v57 =	vadd.s32 v30, v53;
	v51 =	vld.idx.msk [tilespmem:v51+s14+$0x0], $0xffff  }
0x9b: {  	v58 =	vadd.s32 v32, v53;
	v52 =	vld.idx.msk [tilespmem:v52+s14+$0x0], $0xffff  }
0x9c: {  	v59 =	vadd.s32 v34, v53;
	v54 =	vld.idx.msk [tilespmem:v54+s14+$0x0], $0xffff  }
0x9d: {  	v60 =	vadd.s32 v36, v53;
	v56 =	vld.idx.msk [tilespmem:v56+s14+$0x0], $0xffff  }
0x9e: {  	v61 =	vadd.s32 v38, v53;
	v55 =	vld.idx.msk [tilespmem:v55+s14+$0x0], $0xffff  }
0x9f: {  	v62 =	vadd.s32 v40, v53;
	v57 =	vld.idx.msk [tilespmem:v57+s14+$0x0], $0xffff  }
0xa0: {  	vm0 =	vgt.f32 v50, v19;
	vm1 =	vgt.f32 v51, v21;
	v51 =	vadd.s32 v42, v53;
	v50 =	vld.idx.msk [tilespmem:v58+s14+$0x0], $0xffff  }
0xa1: {  	vm0 =	vmand vm0, vm1;
	vm1 =	vgt.f32 v52, v23;
	v58 =	vadd.s32 v44, v53;
	v52 =	vld.idx.msk [tilespmem:v59+s14+$0x0], $0xffff  }
0xa2: {  	vm0 =	vmand vm0, vm1;
	vm1 =	vgt.f32 v54, v25;
	v59 =	vadd.s32 v46, v53;
	v54 =	vld.idx.msk [tilespmem:v60+s14+$0x0], $0xffff  }
0xa3: {  	v53 =	vadd.s32 v48, v53;
	vm0 =	vmand vm0, vm1;
	vm1 =	vgt.f32 v56, v27;
	v56 =	vld.idx.msk [tilespmem:v61+s14+$0x0], $0xffff  }
0xa4: {  	vm0 =	vmand vm0, vm1;
	vm1 =	vgt.f32 v55, v29;
	v55 =	vld.idx.msk [tilespmem:v62+s14+$0x0], $0xffff  }
0xa5: {  	vm0 =	vmand vm0, vm1;
	vm1 =	vgt.f32 v57, v31;
	v57 =	vld.idx.msk [tilespmem:v51+s14+$0x0], $0xffff  }
0xa6: {  	vm0 =	vmand vm0, vm1;
	vm1 =	vgt.f32 v50, v33;
	v50 =	vld.idx.msk [tilespmem:v58+s14+$0x0], $0xffff  }
.Ltmp1:
0xa7: {  	vm0 =	vmand vm0, vm1;
	vm1 =	vgt.f32 v52, v35;
	v51 =	vld.idx.msk [tilespmem:v59+s14+$0x0], $0xffff;
	(pc) =	sbr.rel @p1 .LBB2_5-.Ltmp1, $4  }
0xa8: {  	vm0 =	vmand vm0, vm1;
	vm1 =	vgt.f32 v54, v37;
	v52 =	vld.idx.msk [tilespmem:v53+s14+$0x0], $0xffff  }
0xa9: {  	vm0 =	vmand vm0, vm1;
	vm1 =	vgt.f32 v56, v39  }
0xaa: {  	v53 =	vmov s22;
	vm0 =	vmand vm0, vm1;
	vm1 =	vgt.f32 v55, v41  }
0xab: {  	s22 =	sadd.s32 $0x10, s22;
	v53 =	vshll.u32 v53, $0x7;
	vm0 =	vmand vm0, vm1;
	vm1 =	vgt.f32 v57, v43  }
0xac: {  	v53 =	vor.u32 v16, v53;
	vm0 =	vmand vm0, vm1;
	vm9 =	vgt.f32 v50, v45  }
0xad: {  	vm10 =	vgt.f32 v51, v47;
	v60 =	vadd.s32 v18, v53;
	vm0 =	vmand vm0, vm9  }
0xae: {  	s22 =	sand.u32 $0x80, s21;
	v61 =	vadd.s32 v20, v53;
	vm11 =	vgt.f32 v52, v49;
	vm0 =	vmand vm0, vm10  }
0xaf: {  	s28 =	sand.u32 $0x70, s21;
	v62 =	vadd.s32 v22, v53;
	s22 =	sadd.s32 s22, s20;
	vm0 =	vmand vm0, vm11  }
0xb0: {  	v54 =	vadd.s32 v24, v53;
	s21 =	sadd.s32 s28, s22;
	v55 =	vsel vm0, $0x3F800000, v17  }
0xb1: {  	v56 =	vadd.s32 v26, v53;
	[tilespmem:s21+$0x0] =	vst v55  }
0xb2: {  	v55 =	vadd.s32 v28, v53;
	v50 =	vld.idx.msk [tilespmem:v60+s14+$0x0], $0xffff  }
0xb3: {  	v57 =	vadd.s32 v30, v53;
	v51 =	vld.idx.msk [tilespmem:v61+s14+$0x0], $0xffff  }
0xb4: {  	v58 =	vadd.s32 v32, v53;
	v52 =	vld.idx.msk [tilespmem:v62+s14+$0x0], $0xffff  }
0xb5: {  	v59 =	vadd.s32 v34, v53;
	v54 =	vld.idx.msk [tilespmem:v54+s14+$0x0], $0xffff  }
0xb6: {  	v56 =	vld.idx.msk [tilespmem:v56+s14+$0x0], $0xffff;
	v60 =	vadd.s32 v36, v53  }
0xb7: {  	v61 =	vadd.s32 v38, v53;
	v55 =	vld.idx.msk [tilespmem:v55+s14+$0x0], $0xffff  }
0xb8: {  	v57 =	vld.idx.msk [tilespmem:v57+s14+$0x0], $0xffff;
	v62 =	vadd.s32 v40, v53;
	vm12 =	vgt.f32 v50, v19;
	vm13 =	vgt.f32 v51, v21  }
0xb9: {  	v50 =	vld.idx.msk [tilespmem:v58+s14+$0x0], $0xffff;
	v51 =	vadd.s32 v42, v53;
	vm14 =	vgt.f32 v52, v23;
	vm0 =	vmand vm12, vm13  }
0xba: {  	v52 =	vld.idx.msk [tilespmem:v59+s14+$0x0], $0xffff;
	v58 =	vadd.s32 v44, v53;
	vm15 =	vgt.f32 v54, v25;
	vm0 =	vmand vm0, vm14  }
0xbb: {  	v54 =	vld.idx.msk [tilespmem:v60+s14+$0x0], $0xffff;
	v59 =	vadd.s32 v46, v53;
	vm4 =	vgt.f32 v56, v27;
	vm0 =	vmand vm0, vm15  }
0xbc: {  	v63 =	vld.idx.msk [tilespmem:v61+s14+$0x0], $0xffff;
	v53 =	vadd.s32 v48, v53;
	vm0 =	vmand vm0, vm4;
	vm5 =	vgt.f32 v55, v29  }
0xbd: {  	v60 =	vld.idx.msk [tilespmem:v62+s14+$0x0], $0xffff;
	vm6 =	vgt.f32 v57, v31;
	vm0 =	vmand vm0, vm5  }
0xbe: {  	v51 =	vld.idx.msk [tilespmem:v51+s14+$0x0], $0xffff;
	vm7 =	vgt.f32 v50, v33;
	vm0 =	vmand vm0, vm6  }
0xbf: {  	v61 =	vld.idx.msk [tilespmem:v58+s14+$0x0], $0xffff;
	vm8 =	vgt.f32 v52, v35;
	vm0 =	vmand vm0, vm7  }
0xc0: {  	v62 =	vld.idx.msk [tilespmem:v59+s14+$0x0], $0xffff;
	vm9 =	vgt.f32 v54, v37;
	vm0 =	vmand vm0, vm8  }
0xc1: {  	v53 =	vld.idx.msk [tilespmem:v53+s14+$0x0], $0xffff;
	vm10 =	vgt.f32 v63, v39;
	vm0 =	vmand vm0, vm9  }
0xc2: {  	vm11 =	vgt.f32 v60, v41;
	vm0 =	vmand vm0, vm10  }
0xc3: {  	vm12 =	vgt.f32 v51, v43;
	vm0 =	vmand vm0, vm11  }
0xc4: {  	vm13 =	vgt.f32 v61, v45;
	vm0 =	vmand vm0, vm12  }
.Ltmp2:
0xc5: {  	vm14 =	vgt.f32 v62, v47;
	vm0 =	vmand vm0, vm13;
	(pc) =	sbr.rel @p0 .LBB2_2-.Ltmp2, $4  }
0xc6: {  	s29 =	sand.u32 $0x80, s19;
	vm15 =	vgt.f32 v53, v49;
	vm0 =	vmand vm0, vm14  }
0xc7: {  	s30 =	sand.u32 $0x70, s19;
	s31 =	sadd.s32 s29, s20;
	vm0 =	vmand vm0, vm15  }
0xc8: {  	s19 =	sadd.s32 s30, s31;
	v63 =	vsel vm0, $0x3F800000, v17  }
0xc9: {  	p1 =	por $0x0, $0x0;
	s20 =	simm.s32 $0x1;
	[tilespmem:s19+$0x0] =	vst v63  }
0xca: {  	s18 =	sadd.s32 $0x1, s18  }
0xcb: {  	p0 =	sne.s32 s18, s10  }
.Ltmp3:
0xcc: {  	_ = 	snop;
	(pc) =	sbr.rel @p0 .LBB2_1-.Ltmp3, $4  }
0xcd: {  	[hbm4b:s9+s5] =	stream.linear.scatter [tilespmem:s17], [sflag:$0x3], $0x400, $0x38;
	[tilespmem:$0x10500] =	vst v63  }
0xce: {  	_ =	swait.ge [sflag:s12], $0x400  }
0xcf: {  	[sflag:s12] =	ssyncset.done $0x0  }
0xd0: {  	[sflag:s12] =	ssyncadd.s32 $0xFFFFFC00  }
0xd1: {  	_ =	sfence.sel $0x180000  }
0xd2: {  	[bflag:$0x0] =	sbarrier.arrive $0xFFFF  }
0xd3: {  	p0 =	sne.s32 s3, $0x0;
	_ =	strace $0x90000047  }
0xd4: {  	s0 =	sadd.s32 @!p0 $0x100000, s0;
	[bflag:$0x2] =	sbarrier.arrive $0xFFFF  }
0xd5: {  	[sflag:s0] =	ssyncadd.tile.s32 @!p0 $0x1;
	_ =	shalt  }
.Lfunc_end2:
_tile_overlayer_lowered:
.L_overlay_start_2:
0xd6: {  	(tag) =	ssettag $0x2  }
0xd7: {  	s0 =	rddreg [dreg:$0x0];
	s2 =	stileid.u32  }
0xd8: {  	s1 =	rddreg [dreg:$0x1];
	p0 =	sne.s32 s2, $0x0  }
0xd9: {  	s3 =	rddreg [dreg:$0x2];
	[bflag:$0x3] =	sbarrier.arrive $0xFFFF;
	s2 =	simm.s32 @!p0 $0x1C03  }
0xda: {  	[timem:s3], [sflag:s2] =	dma.local @!p0 [hbm:s0], s1  }
0xdb: {  	s0 =	simm.s32 @!p0 $0x3  }
0xdc: {  	_ =	swait.ge @!p0 [sflag:s0], s1  }
0xdd: {  	s1 =	ssub.s32 @!p0 $0x0, s1;
	[sflag:s0] =	ssyncset.done @!p0 $0x0  }
0xde: {  	[sflag:s0] =	ssyncadd.s32 @!p0 s1  }
0xdf: {  	[bflag:$0x3] =	sbarrier.arrive $0xFFFF  }
0xe0: {  	_ =	shalt  }

</sc_bundles>
